<compile_context>
chip_gen: v7x
topology: tpu7x:2x2x1
jax: 0.10.2.dev20260603
libtpu: 0.0.44.dev20260713+nightly
codegen_flags: <defaults>
</compile_context>

<pallas_src>
import jax
import jax.numpy as jnp
from jax import lax
from jax.experimental import pallas as pl
from jax.experimental.pallas import tpu as pltpu
from jax.experimental.pallas import tpu_sc as plsc

B, H, W, C = 8, 224, 224, 96
HO, WO = 224, 224
NC, NS = 2, 16
NW = NC * NS
PPW = (B * HO * WO) // NW
CHUNK = 112
CHUNKS_PER_W = PPW // CHUNK
NVEC = CHUNK // 16
C2 = 2 * C


def _body(tab_hbm, x_hbm, y_hbm, out_hbm,
          xv, yv, idx0, idx1, w_v, gbuf, obuf, sem):
  wid = lax.axis_index("s") * NC + lax.axis_index("c")
  p0 = wid * PPW
  pltpu.sync_copy(x_hbm.at[pl.ds(p0, PPW)], xv)
  pltpu.sync_copy(y_hbm.at[pl.ds(p0, PPW)], yv)
  base = (wid // 4) * (H * W)

  def stage_gathers(k, slot):
    def vec_body(v, carry2):
      s = pl.ds(v * 16, 16)
      sl = pl.ds(k * CHUNK + v * 16, 16)
      x = xv[sl]
      y = yv[sl]
      px = (0.5 * (x + 1.0)) * jnp.float32(W)
      py = (0.5 * (y + 1.0)) * jnp.float32(H)
      xi = px.astype(jnp.int32)
      yi = py.astype(jnp.int32)
      xm = jnp.clip(xi, 0, W - 1)
      xM = jnp.clip(xi + 1, 0, W - 1)
      ym = jnp.clip(yi, 0, H - 1)
      yM = jnp.clip(yi + 1, 0, H - 1)
      okf = jnp.where(xM > xm, jnp.float32(1.0), jnp.float32(0.0))
      wx0 = (xM.astype(jnp.float32) - px) * okf
      wx1 = (px - xm.astype(jnp.float32)) * okf
      wy0 = yM.astype(jnp.float32) - py
      wy1 = py - ym.astype(jnp.float32)
      idx0[slot, s] = base + ym * W + xm
      idx1[slot, s] = base + yM * W + xm
      w_v[slot, 0, s] = wx0 * wy0
      w_v[slot, 1, s] = wx0 * wy1
      w_v[slot, 2, s] = wx1 * wy0
      w_v[slot, 3, s] = wx1 * wy1
      return carry2

    lax.fori_loop(0, NVEC, vec_body, 0)
    pltpu.async_copy(tab_hbm.at[idx0.at[slot]], gbuf.at[slot, 0], sem.at[slot])
    pltpu.async_copy(tab_hbm.at[idx1.at[slot]], gbuf.at[slot, 1], sem.at[slot])

  def wait_gathers(slot):
    pltpu.make_async_copy(tab_hbm.at[idx0.at[slot]], gbuf.at[slot, 0],
                          sem.at[slot]).wait()
    pltpu.make_async_copy(tab_hbm.at[idx1.at[slot]], gbuf.at[slot, 1],
                          sem.at[slot]).wait()

  stage_gathers(0, 0)

  def chunk_body(k, carry):
    slot = k % 2
    nslot = 1 - slot

    @pl.when(k + 1 < CHUNKS_PER_W)
    def _():
      stage_gathers(k + 1, nslot)

    wait_gathers(slot)

    lane2 = lax.iota(jnp.int32, 16) * 2

    def px_body(i, carry2):
      wA = w_v[slot, 0, pl.ds(i, 16)][0]
      wB = w_v[slot, 1, pl.ds(i, 16)][0]
      wC = w_v[slot, 2, pl.ds(i, 16)][0]
      wD = w_v[slot, 3, pl.ds(i, 16)][0]
      orow = obuf.at[i]
      for c in range(C // 32):
        sA = pl.ds(c * 32, 32)
        sC = pl.ds(C + c * 32, 32)
        aE, aO = plsc.unpack(gbuf[slot, 0, i, sA],
                             format=plsc.PackFormat.INTERLEAVED)
        cE, cO = plsc.unpack(gbuf[slot, 0, i, sC],
                             format=plsc.PackFormat.INTERLEAVED)
        bE, bO = plsc.unpack(gbuf[slot, 1, i, sA],
                             format=plsc.PackFormat.INTERLEAVED)
        dE, dO = plsc.unpack(gbuf[slot, 1, i, sC],
                             format=plsc.PackFormat.INTERLEAVED)
        plsc.store_scatter(orow, [lane2 + (c * 32)],
                           aE * wA + bE * wB + cE * wC + dE * wD)
        plsc.store_scatter(orow, [lane2 + (c * 32 + 1)],
                           aO * wA + bO * wB + cO * wC + dO * wD)
      return carry2

    lax.fori_loop(0, CHUNK, px_body, 0)

    pg = p0 + k * CHUNK
    lp = pg - (wid // 4) * (H * W)
    pltpu.sync_copy(obuf, out_hbm.at[wid // 4, lp // W, pl.ds(lp % W, CHUNK)])
    return carry

  lax.fori_loop(0, CHUNKS_PER_W, chunk_body, 0)


@jax.jit
def kernel(image, affine_transforms):
  flat = image.reshape(B * H * W, C).astype(jnp.bfloat16)
  flat_pad = jnp.concatenate([flat, flat[-1:]], axis=0)
  table2 = jnp.concatenate([flat_pad[:-1], flat_pad[1:]], axis=1)

  x_lin = jnp.linspace(-1.0, 1.0, WO)
  y_lin = jnp.linspace(-1.0, 1.0, HO)
  xg, yg = jnp.meshgrid(x_lin, y_lin)
  grid = jnp.concatenate(
      [xg.reshape(-1), yg.reshape(-1), jnp.ones(HO * WO, dtype=jnp.float32)],
      axis=0)
  grids = jnp.tile(grid.reshape(1, 3, HO * WO), (B, 1, 1))
  theta = affine_transforms.reshape(B, 2, 3)
  grids = jnp.einsum('bij,bjk->bik', theta, grids)
  x = grids[:, 0:1, :].reshape(-1).astype(jnp.float32)
  y = grids[:, 1:2, :].reshape(-1).astype(jnp.float32)

  call = pl.kernel(
      _body,
      out_type=jax.ShapeDtypeStruct((B, HO, WO, C), jnp.float32),
      mesh=plsc.VectorSubcoreMesh(core_axis_name="c", subcore_axis_name="s",
                                  num_cores=NC, num_subcores=NS),
      compiler_params=pltpu.CompilerParams(use_tc_tiling_on_sc=False,
                                           needs_layout_passes=False),
      scratch_types=[
          pltpu.VMEM((PPW,), jnp.float32),
          pltpu.VMEM((PPW,), jnp.float32),
          pltpu.VMEM((2, CHUNK), jnp.int32),
          pltpu.VMEM((2, CHUNK), jnp.int32),
          pltpu.VMEM((2, 4, CHUNK + 16), jnp.float32),
          pltpu.VMEM((2, 2, CHUNK, C2), jnp.bfloat16),
          pltpu.VMEM((CHUNK, C), jnp.float32),
          pltpu.SemaphoreType.DMA((2,)),
      ],
  )
  return call(table2, x, y)

# --- scband reference (transcript-rebuilt; emitter-appended) ---
"""Pipeline reference for scband-bilinear-interpolation-55052890800522 (READ-ONLY COPY).

The authoritative reference and input builder live on the scoring server;
editing this copy changes nothing except your own understanding.
"""

import jax, jax.numpy as jnp
import numpy as np

OUTPUT_SIZE = (224, 224)


def setup_inputs(seed: int = 0) -> dict:
    key = jax.random.key(seed)
    k1, k2 = jax.random.split(key)
    image = jax.random.normal(k1, (8, 224, 224, 96), dtype=jnp.float32)
    affine_transforms = jax.random.normal(k2, (8, 6), dtype=jnp.float32)
    return {"image": image, "affine_transforms": affine_transforms}


def _forward(image, affine_transforms):
    B, H, W, C = image.shape
    Ho, Wo = OUTPUT_SIZE
    # _make_a_grid_per_batch
    x_lin = jnp.linspace(-1.0, 1.0, Wo)
    y_lin = jnp.linspace(-1.0, 1.0, Ho)
    xg, yg = jnp.meshgrid(x_lin, y_lin)
    grid = jnp.concatenate([xg.reshape(-1), yg.reshape(-1), jnp.ones(Ho * Wo, dtype=jnp.float32)], axis=0)
    grids = jnp.tile(grid.reshape(1, 3, Ho * Wo), (B, 1, 1))
    theta = affine_transforms.reshape(B, 2, 3)
    grids = jnp.einsum('bij,bjk->bik', theta, grids)  # K.batch_dot -> [B, 2, Ho*Wo]
    # _interpolate
    x = grids[:, 0:1, :].reshape(-1).astype(jnp.float32)
    y = grids[:, 1:2, :].reshape(-1).astype(jnp.float32)
    # _to_image_coordinates (note: multiplies by W/H, not W-1/H-1, faithful to original)
    x = 0.5 * (x + 1.0) * jnp.float32(W)
    y = 0.5 * (y + 1.0) * jnp.float32(H)
    # _compute_corners
    x_min = x.astype(jnp.int32)
    y_min = y.astype(jnp.int32)
    x_max = x_min + 1
    y_max = y_min + 1
    # _clip_to_valid_coordinates
    x_min = jnp.clip(x_min, 0, W - 1)
    y_min = jnp.clip(y_min, 0, H - 1)
    x_max = jnp.clip(x_max, 0, W - 1)
    y_max = jnp.clip(y_max, 0, H - 1)
    # _compute_offsets_for_flat_batch
    base = jnp.repeat(jnp.arange(B, dtype=jnp.int32) * (H * W), Ho * Wo)
    # _calculate_indices (faithful to original index pairing)
    y_min_offset = base + y_min * W
    y_max_offset = base + y_max * W
    idx_top_left = y_min_offset + x_min
    idx_top_right = y_max_offset + x_min
    idx_low_left = y_min_offset + x_max
    idx_low_right = y_max_offset + x_max
    flat_images = image.reshape(-1, C).astype(jnp.float32)
    pA = jnp.take(flat_images, idx_top_left, axis=0)
    pB = jnp.take(flat_images, idx_top_right, axis=0)
    pC = jnp.take(flat_images, idx_low_left, axis=0)
    pD = jnp.take(flat_images, idx_low_right, axis=0)
    x_min_f = x_min.astype(jnp.float32)
    y_min_f = y_min.astype(jnp.float32)
    x_max_f = x_max.astype(jnp.float32)
    y_max_f = y_max.astype(jnp.float32)
    area_A = ((x_max_f - x) * (y_max_f - y))[:, None]
    area_B = ((x_max_f - x) * (y - y_min_f))[:, None]
    area_C = ((x - x_min_f) * (y_max_f - y))[:, None]
    area_D = ((x - x_min_f) * (y - y_min_f))[:, None]
    interpolation = pA * area_A + pB * area_B + pC * area_C + pD * area_D
    return interpolation.reshape(B, Ho, Wo, C)


def reference(image, affine_transforms):
    return _forward(image, affine_transforms)

if __name__ == "__main__":
    import jax
    _d = setup_inputs()
    print(jax.jit(kernel)(*tuple(_d.values())))

</pallas_src>

<mosaic_0001>
#map = affine_map<(d0, d1) -> (0, 0)>
#map1 = affine_map<(d0, d1) -> (0)>
#map2 = affine_map<(d0, d1) -> (0, 0, 0, 0)>
module attributes {stable_mosaic.version = 14 : i64} {
  func.func @_body(%arg0: i32, %arg1: i32, %arg2: memref<401408x192xbf16, #tpu.memory_space<hbm>>, %arg3: memref<401408xf32, #tpu.memory_space<hbm>>, %arg4: memref<401408xf32, #tpu.memory_space<hbm>>, %arg5: memref<8x224x224x96xf32, #tpu.memory_space<hbm>>, %arg6: memref<12544xf32, #tpu.memory_space<vmem>>, %arg7: memref<12544xf32, #tpu.memory_space<vmem>>, %arg8: memref<2x112xi32, #tpu.memory_space<vmem>>, %arg9: memref<2x112xi32, #tpu.memory_space<vmem>>, %arg10: memref<2x4x128xf32, #tpu.memory_space<vmem>>, %arg11: memref<2x2x112x192xbf16, #tpu.memory_space<vmem>>, %arg12: memref<112x96xf32, #tpu.memory_space<vmem>>, %arg13: memref<2x!tpu.dma_semaphore, #tpu.memory_space<semaphore_mem>>) attributes {dimension_semantics = [#tpu.dimension_semantics<core_parallel>, #tpu.dimension_semantics<subcore_parallel>], iteration_bounds = array<i64: 2, 16>, scalar_prefetch = 0 : i64, scratch_operands = 8 : i64, tpu.core_type = #tpu.core_type<sc_vector_subcore>, window_params = [{transform_indices = #map}, {transform_indices = #map1}, {transform_indices = #map1}, {transform_indices = #map2}]} {
    %mul3A = arith.constant 2 : i32
    %mul3A_0 = arith.muli %arg1, %mul3A : i32
    %add3A = arith.addi %mul3A_0, %arg0 : i32
    %mul3A_1 = arith.constant 12544 : i32
    %mul3A_2 = arith.muli %add3A, %mul3A_1 : i32
    "tpu.region"() ({
      %run_scoped3A = tpu.sem_alloc : memref<!tpu.dma_semaphore, #tpu.memory_space<semaphore_mem>>
      %dma_start3A_63 = tpu.memref_slice %arg3[%mul3A_2] : memref<401408xf32, #tpu.memory_space<hbm>> -> memref<12544xf32, #tpu.memory_space<hbm>>
      %dma_start3A_64 = tpu.memref_slice %arg3[%mul3A_2] : memref<401408xf32, #tpu.memory_space<hbm>> -> memref<12544xf32, #tpu.memory_space<hbm>>
      tpu.enqueue_dma source(%dma_start3A_64 : memref<12544xf32, #tpu.memory_space<hbm>>) target(%arg6 : memref<12544xf32, #tpu.memory_space<vmem>>) target_semaphore(%run_scoped3A : memref<!tpu.dma_semaphore, #tpu.memory_space<semaphore_mem>>)
      %dma_wait3A = tpu.memref_slice %arg3[%mul3A_2] : memref<401408xf32, #tpu.memory_space<hbm>> -> memref<12544xf32, #tpu.memory_space<hbm>>
      %dma_wait3A_65 = tpu.memref_slice %arg3[%mul3A_2] : memref<401408xf32, #tpu.memory_space<hbm>> -> memref<12544xf32, #tpu.memory_space<hbm>>
      tpu.wait_dma2 semaphore(%run_scoped3A : memref<!tpu.dma_semaphore, #tpu.memory_space<semaphore_mem>>) src(%dma_wait3A_65 : memref<12544xf32, #tpu.memory_space<hbm>>) dst(%arg6 : memref<12544xf32, #tpu.memory_space<vmem>>)
      tpu.yield
    }) : () -> ()
    "tpu.region"() ({
      %run_scoped3A = tpu.sem_alloc : memref<!tpu.dma_semaphore, #tpu.memory_space<semaphore_mem>>
      %dma_start3A_63 = tpu.memref_slice %arg4[%mul3A_2] : memref<401408xf32, #tpu.memory_space<hbm>> -> memref<12544xf32, #tpu.memory_space<hbm>>
      %dma_start3A_64 = tpu.memref_slice %arg4[%mul3A_2] : memref<401408xf32, #tpu.memory_space<hbm>> -> memref<12544xf32, #tpu.memory_space<hbm>>
      tpu.enqueue_dma source(%dma_start3A_64 : memref<12544xf32, #tpu.memory_space<hbm>>) target(%arg7 : memref<12544xf32, #tpu.memory_space<vmem>>) target_semaphore(%run_scoped3A : memref<!tpu.dma_semaphore, #tpu.memory_space<semaphore_mem>>)
      %dma_wait3A = tpu.memref_slice %arg4[%mul3A_2] : memref<401408xf32, #tpu.memory_space<hbm>> -> memref<12544xf32, #tpu.memory_space<hbm>>
      %dma_wait3A_65 = tpu.memref_slice %arg4[%mul3A_2] : memref<401408xf32, #tpu.memory_space<hbm>> -> memref<12544xf32, #tpu.memory_space<hbm>>
      tpu.wait_dma2 semaphore(%run_scoped3A : memref<!tpu.dma_semaphore, #tpu.memory_space<semaphore_mem>>) src(%dma_wait3A_65 : memref<12544xf32, #tpu.memory_space<hbm>>) dst(%arg7 : memref<12544xf32, #tpu.memory_space<vmem>>)
      tpu.yield
    }) : () -> ()
    %jit3A = arith.constant 4 : i32
    %div3A = arith.divsi %add3A, %jit3A : i32
    %sign3A = arith.constant 0 : i32
    %sign3A_3 = arith.cmpi sgt, %add3A, %sign3A : i32
    %sign3A_4 = arith.extui %sign3A_3 : i1 to i32
    %sign3A_5 = arith.constant 0 : i32
    %sign3A_6 = arith.cmpi slt, %add3A, %sign3A_5 : i32
    %sign3A_7 = arith.extui %sign3A_6 : i1 to i32
    %sign3A_8 = arith.subi %sign3A_4, %sign3A_7 : i32
    %sign3A_9 = arith.constant 0 : i32
    %sign3A_10 = arith.cmpi sgt, %jit3A, %sign3A_9 : i32
    %sign3A_11 = arith.extui %sign3A_10 : i1 to i32
    %sign3A_12 = arith.constant 0 : i32
    %sign3A_13 = arith.cmpi slt, %jit3A, %sign3A_12 : i32
    %sign3A_14 = arith.extui %sign3A_13 : i1 to i32
    %sign3A_15 = arith.subi %sign3A_11, %sign3A_14 : i32
    %ne3A = arith.cmpi ne, %sign3A_8, %sign3A_15 : i32
    %rem3A = arith.remsi %add3A, %jit3A : i32
    %ne3A_16 = arith.constant 0 : i32
    %ne3A_17 = arith.cmpi ne, %rem3A, %ne3A_16 : i32
    %and3A = arith.andi %ne3A, %ne3A_17 : i1
    %sub3A = arith.constant 1 : i32
    %sub3A_18 = arith.subi %div3A, %sub3A : i32
    %select_n3A = arith.select %and3A, %sub3A_18, %div3A : i32
    %mul3A_19 = arith.constant 50176 : i32
    %mul3A_20 = arith.muli %select_n3A, %mul3A_19 : i32
    %scan3A = arith.constant 0 : i32
    %scan3A_21 = arith.constant 0 : i32
    %scan3A_22 = arith.constant 7 : i32
    %scan3A_23 = arith.addi %scan3A_21, %scan3A_22 : i32
    %scan3A_24 = arith.constant 1 : i32
    scf.for %scan3A_63 = %scan3A_21 to %scan3A_23 step %scan3A_24  : i32 {
      %mul3A_64 = arith.constant 16 : i32
      %mul3A_65 = arith.muli %scan3A_63, %mul3A_64 : i32
      %mul3A_66 = arith.constant 16 : i32
      %mul3A_67 = arith.muli %scan3A_63, %mul3A_66 : i32
      %add3A_68 = arith.constant 0 : i32
      %add3A_69 = arith.addi %add3A_68, %mul3A_67 : i32
      %get3A = arith.index_cast %add3A_69 : i32 to index
      %get3A_70 = tpu.vector_load %arg6[%get3A] {strides = array<i32>} : memref<12544xf32, #tpu.memory_space<vmem>>, vector<16xf32>,
      %get3A_71 = arith.index_cast %add3A_69 : i32 to index
      %get3A_72 = tpu.vector_load %arg7[%get3A_71] {strides = array<i32>} : memref<12544xf32, #tpu.memory_space<vmem>>, vector<16xf32>,
      %add3A_73 = arith.constant 1.000000e+00 : f32
      %add3A_74 = vector.broadcast %add3A_73 : f32 to vector<16xf32>
      %add3A_75 = arith.addf %get3A_70, %add3A_74 : vector<16xf32>
      %mul3A_76 = arith.constant 5.000000e-01 : f32
      %mul3A_77 = vector.broadcast %mul3A_76 : f32 to vector<16xf32>
      %mul3A_78 = arith.mulf %mul3A_77, %add3A_75 : vector<16xf32>
      %mul3A_79 = arith.constant 2.240000e+02 : f32
      %mul3A_80 = vector.broadcast %mul3A_79 : f32 to vector<16xf32>
      %mul3A_81 = arith.mulf %mul3A_78, %mul3A_80 : vector<16xf32>
      %add3A_82 = arith.constant 1.000000e+00 : f32
      %add3A_83 = vector.broadcast %add3A_82 : f32 to vector<16xf32>
      %add3A_84 = arith.addf %get3A_72, %add3A_83 : vector<16xf32>
      %mul3A_85 = arith.constant 5.000000e-01 : f32
      %mul3A_86 = vector.broadcast %mul3A_85 : f32 to vector<16xf32>
      %mul3A_87 = arith.mulf %mul3A_86, %add3A_84 : vector<16xf32>
      %mul3A_88 = arith.constant 2.240000e+02 : f32
      %mul3A_89 = vector.broadcast %mul3A_88 : f32 to vector<16xf32>
      %mul3A_90 = arith.mulf %mul3A_87, %mul3A_89 : vector<16xf32>
      %convert_element_type3A = arith.fptosi %mul3A_81 : vector<16xf32> to vector<16xi32>
      %convert_element_type3A_91 = arith.fptosi %mul3A_90 : vector<16xf32> to vector<16xi32>
      %jit3A_92 = arith.constant 0 : i32
      %jit3A_93 = arith.constant 223 : i32
      %max3A = vector.broadcast %jit3A_92 : i32 to vector<16xi32>
      %max3A_94 = arith.maxsi %max3A, %convert_element_type3A : vector<16xi32>
      %min3A = vector.broadcast %jit3A_93 : i32 to vector<16xi32>
      %min3A_95 = arith.minsi %min3A, %max3A_94 : vector<16xi32>
      %add3A_96 = arith.constant 1 : i32
      %add3A_97 = vector.broadcast %add3A_96 : i32 to vector<16xi32>
      %add3A_98 = arith.addi %convert_element_type3A, %add3A_97 : vector<16xi32>
      %jit3A_99 = arith.constant 0 : i32
      %jit3A_100 = arith.constant 223 : i32
      %max3A_101 = vector.broadcast %jit3A_99 : i32 to vector<16xi32>
      %max3A_102 = arith.maxsi %max3A_101, %add3A_98 : vector<16xi32>
      %min3A_103 = vector.broadcast %jit3A_100 : i32 to vector<16xi32>
      %min3A_104 = arith.minsi %min3A_103, %max3A_102 : vector<16xi32>
      %jit3A_105 = arith.constant 0 : i32
      %jit3A_106 = arith.constant 223 : i32
      %max3A_107 = vector.broadcast %jit3A_105 : i32 to vector<16xi32>
      %max3A_108 = arith.maxsi %max3A_107, %convert_element_type3A_91 : vector<16xi32>
      %min3A_109 = vector.broadcast %jit3A_106 : i32 to vector<16xi32>
      %min3A_110 = arith.minsi %min3A_109, %max3A_108 : vector<16xi32>
      %add3A_111 = arith.constant 1 : i32
      %add3A_112 = vector.broadcast %add3A_111 : i32 to vector<16xi32>
      %add3A_113 = arith.addi %convert_element_type3A_91, %add3A_112 : vector<16xi32>
      %jit3A_114 = arith.constant 0 : i32
      %jit3A_115 = arith.constant 223 : i32
      %max3A_116 = vector.broadcast %jit3A_114 : i32 to vector<16xi32>
      %max3A_117 = arith.maxsi %max3A_116, %add3A_113 : vector<16xi32>
      %min3A_118 = vector.broadcast %jit3A_115 : i32 to vector<16xi32>
      %min3A_119 = arith.minsi %min3A_118, %max3A_117 : vector<16xi32>
      %gt3A = arith.cmpi sgt, %min3A_104, %min3A_95 : vector<16xi32>
      %jit3A_120 = arith.constant 1.000000e+00 : f32
      %jit3A_121 = arith.constant 0.000000e+00 : f32
      %broadcast_in_dim3A = vector.broadcast %jit3A_120 : f32 to vector<16xf32>
      %broadcast_in_dim3A_122 = vector.broadcast %jit3A_121 : f32 to vector<16xf32>
      %select_n3A_123 = arith.select %gt3A, %broadcast_in_dim3A, %broadcast_in_dim3A_122 : vector<16xi1>, vector<16xf32>
      %convert_element_type3A_124 = arith.sitofp %min3A_104 : vector<16xi32> to vector<16xf32>
      %sub3A_125 = arith.subf %convert_element_type3A_124, %mul3A_81 : vector<16xf32>
      %mul3A_126 = arith.mulf %sub3A_125, %select_n3A_123 : vector<16xf32>
      %convert_element_type3A_127 = arith.sitofp %min3A_95 : vector<16xi32> to vector<16xf32>
      %sub3A_128 = arith.subf %mul3A_81, %convert_element_type3A_127 : vector<16xf32>
      %mul3A_129 = arith.mulf %sub3A_128, %select_n3A_123 : vector<16xf32>
      %convert_element_type3A_130 = arith.sitofp %min3A_119 : vector<16xi32> to vector<16xf32>
      %sub3A_131 = arith.subf %convert_element_type3A_130, %mul3A_90 : vector<16xf32>
      %convert_element_type3A_132 = arith.sitofp %min3A_110 : vector<16xi32> to vector<16xf32>
      %sub3A_133 = arith.subf %mul3A_90, %convert_element_type3A_132 : vector<16xf32>
      %mul3A_134 = arith.constant 224 : i32
      %mul3A_135 = vector.broadcast %mul3A_134 : i32 to vector<16xi32>
      %mul3A_136 = arith.muli %min3A_110, %mul3A_135 : vector<16xi32>
      %add3A_137 = vector.broadcast %mul3A_20 : i32 to vector<16xi32>
      %add3A_138 = arith.addi %add3A_137, %mul3A_136 : vector<16xi32>
      %add3A_139 = arith.addi %add3A_138, %min3A_95 : vector<16xi32>
      %swap3A = arith.constant 0 : i32
      %swap3A_140 = arith.index_cast %swap3A : i32 to index
      %swap3A_141 = arith.index_cast %mul3A_65 : i32 to index
      %swap3A_142 = tpu.vector_load %arg8[%swap3A_140, %swap3A_141] {strides = array<i32>} : memref<2x112xi32, #tpu.memory_space<vmem>>, vector<16xi32>,
      tpu.vector_store %arg8[%swap3A_140, %swap3A_141], %add3A_139 {strides = array<i32>} : memref<2x112xi32, #tpu.memory_space<vmem>>, vector<16xi32>,
      %mul3A_143 = arith.constant 224 : i32
      %mul3A_144 = vector.broadcast %mul3A_143 : i32 to vector<16xi32>
      %mul3A_145 = arith.muli %min3A_119, %mul3A_144 : vector<16xi32>
      %add3A_146 = vector.broadcast %mul3A_20 : i32 to vector<16xi32>
      %add3A_147 = arith.addi %add3A_146, %mul3A_145 : vector<16xi32>
      %add3A_148 = arith.addi %add3A_147, %min3A_95 : vector<16xi32>
      %swap3A_149 = arith.constant 0 : i32
      %swap3A_150 = arith.index_cast %swap3A_149 : i32 to index
      %swap3A_151 = arith.index_cast %mul3A_65 : i32 to index
      %swap3A_152 = tpu.vector_load %arg9[%swap3A_150, %swap3A_151] {strides = array<i32>} : memref<2x112xi32, #tpu.memory_space<vmem>>, vector<16xi32>,
      tpu.vector_store %arg9[%swap3A_150, %swap3A_151], %add3A_148 {strides = array<i32>} : memref<2x112xi32, #tpu.memory_space<vmem>>, vector<16xi32>,
      %mul3A_153 = arith.mulf %mul3A_126, %sub3A_131 : vector<16xf32>
      %swap3A_154 = arith.constant 0 : i32
      %swap3A_155 = arith.constant 0 : i32
      %swap3A_156 = arith.index_cast %swap3A_154 : i32 to index
      %swap3A_157 = arith.index_cast %swap3A_155 : i32 to index
      %swap3A_158 = arith.index_cast %mul3A_65 : i32 to index
      %swap3A_159 = tpu.vector_load %arg10[%swap3A_156, %swap3A_157, %swap3A_158] {strides = array<i32>} : memref<2x4x128xf32, #tpu.memory_space<vmem>>, vector<16xf32>,
      tpu.vector_store %arg10[%swap3A_156, %swap3A_157, %swap3A_158], %mul3A_153 {strides = array<i32>} : memref<2x4x128xf32, #tpu.memory_space<vmem>>, vector<16xf32>,
      %mul3A_160 = arith.mulf %mul3A_126, %sub3A_133 : vector<16xf32>
      %swap3A_161 = arith.constant 0 : i32
      %swap3A_162 = arith.constant 1 : i32
      %swap3A_163 = arith.index_cast %swap3A_161 : i32 to index
      %swap3A_164 = arith.index_cast %swap3A_162 : i32 to index
      %swap3A_165 = arith.index_cast %mul3A_65 : i32 to index
      %swap3A_166 = tpu.vector_load %arg10[%swap3A_163, %swap3A_164, %swap3A_165] {strides = array<i32>} : memref<2x4x128xf32, #tpu.memory_space<vmem>>, vector<16xf32>,
      tpu.vector_store %arg10[%swap3A_163, %swap3A_164, %swap3A_165], %mul3A_160 {strides = array<i32>} : memref<2x4x128xf32, #tpu.memory_space<vmem>>, vector<16xf32>,
      %mul3A_167 = arith.mulf %mul3A_129, %sub3A_131 : vector<16xf32>
      %swap3A_168 = arith.constant 0 : i32
      %swap3A_169 = arith.constant 2 : i32
      %swap3A_170 = arith.index_cast %swap3A_168 : i32 to index
      %swap3A_171 = arith.index_cast %swap3A_169 : i32 to index
      %swap3A_172 = arith.index_cast %mul3A_65 : i32 to index
      %swap3A_173 = tpu.vector_load %arg10[%swap3A_170, %swap3A_171, %swap3A_172] {strides = array<i32>} : memref<2x4x128xf32, #tpu.memory_space<vmem>>, vector<16xf32>,
      tpu.vector_store %arg10[%swap3A_170, %swap3A_171, %swap3A_172], %mul3A_167 {strides = array<i32>} : memref<2x4x128xf32, #tpu.memory_space<vmem>>, vector<16xf32>,
      %mul3A_174 = arith.mulf %mul3A_129, %sub3A_133 : vector<16xf32>
      %swap3A_175 = arith.constant 0 : i32
      %swap3A_176 = arith.constant 3 : i32
      %swap3A_177 = arith.index_cast %swap3A_175 : i32 to index
      %swap3A_178 = arith.index_cast %swap3A_176 : i32 to index
      %swap3A_179 = arith.index_cast %mul3A_65 : i32 to index
      %swap3A_180 = tpu.vector_load %arg10[%swap3A_177, %swap3A_178, %swap3A_179] {strides = array<i32>} : memref<2x4x128xf32, #tpu.memory_space<vmem>>, vector<16xf32>,
      tpu.vector_store %arg10[%swap3A_177, %swap3A_178, %swap3A_179], %mul3A_174 {strides = array<i32>} : memref<2x4x128xf32, #tpu.memory_space<vmem>>, vector<16xf32>,
    }
    %scan3A_25 = arith.constant 7 : i32
    %dma_start3A = arith.constant 0 : i32
    %dma_start3A_26 = arith.constant 0 : i32
    %dma_start3A_27 = arith.constant 0 : i32
    %dma_start3A_28 = arith.constant 0 : i32
    %dma_start3A_29 = arith.constant 0 : i32
    %dma_start3A_30 = arith.constant 0 : i32
    %dma_start3A_31 = tpu.memref_slice %arg11[%dma_start3A_26, %dma_start3A_27, %dma_start3A_29, %dma_start3A_30] : memref<2x2x112x192xbf16, #tpu.memory_space<vmem>> -> memref<1x1x112x192xbf16, #tpu.memory_space<vmem>>
    %dma_start3A_32 = tpu.memref_squeeze %dma_start3A_31 : memref<1x1x112x192xbf16, #tpu.memory_space<vmem>> -> memref<112x192xbf16, #tpu.memory_space<vmem>>
    %dma_start3A_33 = arith.constant 0 : i32
    %dma_start3A_34 = tpu.memref_slice %arg8[%dma_start3A, %dma_start3A_33] : memref<2x112xi32, #tpu.memory_space<vmem>> -> memref<1x112xi32, #tpu.memory_space<vmem>>
    %dma_start3A_35 = tpu.memref_squeeze %dma_start3A_34 : memref<1x112xi32, #tpu.memory_space<vmem>> -> memref<112xi32, #tpu.memory_space<vmem>>
    %dma_start3A_36 = arith.constant 0 : i32
    %dma_start3A_37 = arith.constant 0 : i32
    %dma_start3A_38 = tpu.memref_slice %arg2[%dma_start3A_36, %dma_start3A_37] : memref<401408x192xbf16, #tpu.memory_space<hbm>> -> memref<401408x192xbf16, #tpu.memory_space<hbm>>
    %dma_start3A_39 = tpu.memref_slice %arg13[%dma_start3A_28] : memref<2x!tpu.dma_semaphore, #tpu.memory_space<semaphore_mem>> -> memref<1x!tpu.dma_semaphore, #tpu.memory_space<semaphore_mem>>
    %dma_start3A_40 = tpu.memref_squeeze %dma_start3A_39 : memref<1x!tpu.dma_semaphore, #tpu.memory_space<semaphore_mem>> -> memref<!tpu.dma_semaphore, #tpu.memory_space<semaphore_mem>>
    tpu.enqueue_indirect_dma source(%dma_start3A_38 : memref<401408x192xbf16, #tpu.memory_space<hbm>>) target(%dma_start3A_32 : memref<112x192xbf16, #tpu.memory_space<vmem>>) offsets(%dma_start3A_35 : memref<112xi32, #tpu.memory_space<vmem>>) semaphore(%dma_start3A_40 : memref<!tpu.dma_semaphore, #tpu.memory_space<semaphore_mem>>)
    %dma_start3A_41 = arith.constant 0 : i32
    %dma_start3A_42 = arith.constant 0 : i32
    %dma_start3A_43 = arith.constant 1 : i32
    %dma_start3A_44 = arith.constant 0 : i32
    %dma_start3A_45 = arith.constant 0 : i32
    %dma_start3A_46 = arith.constant 0 : i32
    %dma_start3A_47 = tpu.memref_slice %arg11[%dma_start3A_42, %dma_start3A_43, %dma_start3A_45, %dma_start3A_46] : memref<2x2x112x192xbf16, #tpu.memory_space<vmem>> -> memref<1x1x112x192xbf16, #tpu.memory_space<vmem>>
    %dma_start3A_48 = tpu.memref_squeeze %dma_start3A_47 : memref<1x1x112x192xbf16, #tpu.memory_space<vmem>> -> memref<112x192xbf16, #tpu.memory_space<vmem>>
    %dma_start3A_49 = arith.constant 0 : i32
    %dma_start3A_50 = tpu.memref_slice %arg9[%dma_start3A_41, %dma_start3A_49] : memref<2x112xi32, #tpu.memory_space<vmem>> -> memref<1x112xi32, #tpu.memory_space<vmem>>
    %dma_start3A_51 = tpu.memref_squeeze %dma_start3A_50 : memref<1x112xi32, #tpu.memory_space<vmem>> -> memref<112xi32, #tpu.memory_space<vmem>>
    %dma_start3A_52 = arith.constant 0 : i32
    %dma_start3A_53 = arith.constant 0 : i32
    %dma_start3A_54 = tpu.memref_slice %arg2[%dma_start3A_52, %dma_start3A_53] : memref<401408x192xbf16, #tpu.memory_space<hbm>> -> memref<401408x192xbf16, #tpu.memory_space<hbm>>
    %dma_start3A_55 = tpu.memref_slice %arg13[%dma_start3A_44] : memref<2x!tpu.dma_semaphore, #tpu.memory_space<semaphore_mem>> -> memref<1x!tpu.dma_semaphore, #tpu.memory_space<semaphore_mem>>
    %dma_start3A_56 = tpu.memref_squeeze %dma_start3A_55 : memref<1x!tpu.dma_semaphore, #tpu.memory_space<semaphore_mem>> -> memref<!tpu.dma_semaphore, #tpu.memory_space<semaphore_mem>>
    tpu.enqueue_indirect_dma source(%dma_start3A_54 : memref<401408x192xbf16, #tpu.memory_space<hbm>>) target(%dma_start3A_48 : memref<112x192xbf16, #tpu.memory_space<vmem>>) offsets(%dma_start3A_51 : memref<112xi32, #tpu.memory_space<vmem>>) semaphore(%dma_start3A_56 : memref<!tpu.dma_semaphore, #tpu.memory_space<semaphore_mem>>)
    %scan3A_57 = arith.constant 0 : i32
    %scan3A_58 = arith.constant 0 : i32
    %scan3A_59 = arith.constant 112 : i32
    %scan3A_60 = arith.addi %scan3A_58, %scan3A_59 : i32
    %scan3A_61 = arith.constant 1 : i32
    scf.for %scan3A_63 = %scan3A_58 to %scan3A_60 step %scan3A_61  : i32 {
      %jit3A_64 = arith.constant 2 : i32
      %eq3A = arith.constant 0 : i32
      %eq3A_65 = arith.cmpi eq, %jit3A_64, %eq3A : i32
      %jit3A_66 = arith.constant 1 : i32
      %select_n3A_67 = arith.select %eq3A_65, %jit3A_66, %jit3A_64 : i32
      %rem3A_68 = arith.remsi %scan3A_63, %select_n3A_67 : i32
      %ne3A_69 = arith.constant 0 : i32
      %ne3A_70 = arith.cmpi ne, %rem3A_68, %ne3A_69 : i32
      %lt3A = arith.constant 0 : i32
      %lt3A_71 = arith.cmpi slt, %rem3A_68, %lt3A : i32
      %lt3A_72 = arith.constant 0 : i32
      %lt3A_73 = arith.cmpi slt, %select_n3A_67, %lt3A_72 : i32
      %ne3A_74 = arith.xori %lt3A_71, %lt3A_73 : i1
      %and3A_75 = arith.andi %ne3A_74, %ne3A_70 : i1
      %add3A_76 = arith.addi %rem3A_68, %select_n3A_67 : i32
      %select_n3A_77 = arith.select %and3A_75, %add3A_76, %rem3A_68 : i32
      %sub3A_78 = arith.constant 1 : i32
      %sub3A_79 = arith.subi %sub3A_78, %select_n3A_77 : i32
      %add3A_80 = arith.constant 1 : i32
      %add3A_81 = arith.addi %scan3A_63, %add3A_80 : i32
      %lt3A_82 = arith.constant 112 : i32
      %lt3A_83 = arith.cmpi slt, %add3A_81, %lt3A_82 : i32
      %convert_element_type3A = arith.extui %lt3A_83 : i1 to i32
      %cond3A = arith.constant 0 : i32
      %cond3A_84 = arith.cmpi ne, %convert_element_type3A, %cond3A : i32
      scf.if %cond3A_84 {
        %add3A_213 = arith.constant 1 : i32
        %add3A_214 = arith.addi %scan3A_63, %add3A_213 : i32
        %scan3A_215 = arith.constant 0 : i32
        %scan3A_216 = arith.constant 0 : i32
        %scan3A_217 = arith.constant 7 : i32
        %scan3A_218 = arith.addi %scan3A_216, %scan3A_217 : i32
        %scan3A_219 = arith.constant 1 : i32
        scf.for %scan3A_247 = %scan3A_216 to %scan3A_218 step %scan3A_219  : i32 {
          %mul3A_248 = arith.constant 16 : i32
          %mul3A_249 = arith.muli %scan3A_247, %mul3A_248 : i32
          %mul3A_250 = arith.constant 112 : i32
          %mul3A_251 = arith.muli %add3A_214, %mul3A_250 : i32
          %mul3A_252 = arith.constant 16 : i32
          %mul3A_253 = arith.muli %scan3A_247, %mul3A_252 : i32
          %add3A_254 = arith.addi %mul3A_251, %mul3A_253 : i32
          %get3A = arith.index_cast %add3A_254 : i32 to index
          %get3A_255 = tpu.vector_load %arg6[%get3A] {strides = array<i32>} : memref<12544xf32, #tpu.memory_space<vmem>>, vector<16xf32>,
          %get3A_256 = arith.index_cast %add3A_254 : i32 to index
          %get3A_257 = tpu.vector_load %arg7[%get3A_256] {strides = array<i32>} : memref<12544xf32, #tpu.memory_space<vmem>>, vector<16xf32>,
          %add3A_258 = arith.constant 1.000000e+00 : f32
          %add3A_259 = vector.broadcast %add3A_258 : f32 to vector<16xf32>
          %add3A_260 = arith.addf %get3A_255, %add3A_259 : vector<16xf32>
          %mul3A_261 = arith.constant 5.000000e-01 : f32
          %mul3A_262 = vector.broadcast %mul3A_261 : f32 to vector<16xf32>
          %mul3A_263 = arith.mulf %mul3A_262, %add3A_260 : vector<16xf32>
          %mul3A_264 = arith.constant 2.240000e+02 : f32
          %mul3A_265 = vector.broadcast %mul3A_264 : f32 to vector<16xf32>
          %mul3A_266 = arith.mulf %mul3A_263, %mul3A_265 : vector<16xf32>
          %add3A_267 = arith.constant 1.000000e+00 : f32
          %add3A_268 = vector.broadcast %add3A_267 : f32 to vector<16xf32>
          %add3A_269 = arith.addf %get3A_257, %add3A_268 : vector<16xf32>
          %mul3A_270 = arith.constant 5.000000e-01 : f32
          %mul3A_271 = vector.broadcast %mul3A_270 : f32 to vector<16xf32>
          %mul3A_272 = arith.mulf %mul3A_271, %add3A_269 : vector<16xf32>
          %mul3A_273 = arith.constant 2.240000e+02 : f32
          %mul3A_274 = vector.broadcast %mul3A_273 : f32 to vector<16xf32>
          %mul3A_275 = arith.mulf %mul3A_272, %mul3A_274 : vector<16xf32>
          %convert_element_type3A_276 = arith.fptosi %mul3A_266 : vector<16xf32> to vector<16xi32>
          %convert_element_type3A_277 = arith.fptosi %mul3A_275 : vector<16xf32> to vector<16xi32>
          %jit3A_278 = arith.constant 0 : i32
          %jit3A_279 = arith.constant 223 : i32
          %max3A = vector.broadcast %jit3A_278 : i32 to vector<16xi32>
          %max3A_280 = arith.maxsi %max3A, %convert_element_type3A_276 : vector<16xi32>
          %min3A = vector.broadcast %jit3A_279 : i32 to vector<16xi32>
          %min3A_281 = arith.minsi %min3A, %max3A_280 : vector<16xi32>
          %add3A_282 = arith.constant 1 : i32
          %add3A_283 = vector.broadcast %add3A_282 : i32 to vector<16xi32>
          %add3A_284 = arith.addi %convert_element_type3A_276, %add3A_283 : vector<16xi32>
          %jit3A_285 = arith.constant 0 : i32
          %jit3A_286 = arith.constant 223 : i32
          %max3A_287 = vector.broadcast %jit3A_285 : i32 to vector<16xi32>
          %max3A_288 = arith.maxsi %max3A_287, %add3A_284 : vector<16xi32>
          %min3A_289 = vector.broadcast %jit3A_286 : i32 to vector<16xi32>
          %min3A_290 = arith.minsi %min3A_289, %max3A_288 : vector<16xi32>
          %jit3A_291 = arith.constant 0 : i32
          %jit3A_292 = arith.constant 223 : i32
          %max3A_293 = vector.broadcast %jit3A_291 : i32 to vector<16xi32>
          %max3A_294 = arith.maxsi %max3A_293, %convert_element_type3A_277 : vector<16xi32>
          %min3A_295 = vector.broadcast %jit3A_292 : i32 to vector<16xi32>
          %min3A_296 = arith.minsi %min3A_295, %max3A_294 : vector<16xi32>
          %add3A_297 = arith.constant 1 : i32
          %add3A_298 = vector.broadcast %add3A_297 : i32 to vector<16xi32>
          %add3A_299 = arith.addi %convert_element_type3A_277, %add3A_298 : vector<16xi32>
          %jit3A_300 = arith.constant 0 : i32
          %jit3A_301 = arith.constant 223 : i32
          %max3A_302 = vector.broadcast %jit3A_300 : i32 to vector<16xi32>
          %max3A_303 = arith.maxsi %max3A_302, %add3A_299 : vector<16xi32>
          %min3A_304 = vector.broadcast %jit3A_301 : i32 to vector<16xi32>
          %min3A_305 = arith.minsi %min3A_304, %max3A_303 : vector<16xi32>
          %gt3A = arith.cmpi sgt, %min3A_290, %min3A_281 : vector<16xi32>
          %jit3A_306 = arith.constant 1.000000e+00 : f32
          %jit3A_307 = arith.constant 0.000000e+00 : f32
          %broadcast_in_dim3A = vector.broadcast %jit3A_306 : f32 to vector<16xf32>
          %broadcast_in_dim3A_308 = vector.broadcast %jit3A_307 : f32 to vector<16xf32>
          %select_n3A_309 = arith.select %gt3A, %broadcast_in_dim3A, %broadcast_in_dim3A_308 : vector<16xi1>, vector<16xf32>
          %convert_element_type3A_310 = arith.sitofp %min3A_290 : vector<16xi32> to vector<16xf32>
          %sub3A_311 = arith.subf %convert_element_type3A_310, %mul3A_266 : vector<16xf32>
          %mul3A_312 = arith.mulf %sub3A_311, %select_n3A_309 : vector<16xf32>
          %convert_element_type3A_313 = arith.sitofp %min3A_281 : vector<16xi32> to vector<16xf32>
          %sub3A_314 = arith.subf %mul3A_266, %convert_element_type3A_313 : vector<16xf32>
          %mul3A_315 = arith.mulf %sub3A_314, %select_n3A_309 : vector<16xf32>
          %convert_element_type3A_316 = arith.sitofp %min3A_305 : vector<16xi32> to vector<16xf32>
          %sub3A_317 = arith.subf %convert_element_type3A_316, %mul3A_275 : vector<16xf32>
          %convert_element_type3A_318 = arith.sitofp %min3A_296 : vector<16xi32> to vector<16xf32>
          %sub3A_319 = arith.subf %mul3A_275, %convert_element_type3A_318 : vector<16xf32>
          %mul3A_320 = arith.constant 224 : i32
          %mul3A_321 = vector.broadcast %mul3A_320 : i32 to vector<16xi32>
          %mul3A_322 = arith.muli %min3A_296, %mul3A_321 : vector<16xi32>
          %add3A_323 = vector.broadcast %mul3A_20 : i32 to vector<16xi32>
          %add3A_324 = arith.addi %add3A_323, %mul3A_322 : vector<16xi32>
          %add3A_325 = arith.addi %add3A_324, %min3A_281 : vector<16xi32>
          %swap3A = arith.index_cast %sub3A_79 : i32 to index
          %swap3A_326 = arith.index_cast %mul3A_249 : i32 to index
          %swap3A_327 = tpu.vector_load %arg8[%swap3A, %swap3A_326] {strides = array<i32>} : memref<2x112xi32, #tpu.memory_space<vmem>>, vector<16xi32>,
          tpu.vector_store %arg8[%swap3A, %swap3A_326], %add3A_325 {strides = array<i32>} : memref<2x112xi32, #tpu.memory_space<vmem>>, vector<16xi32>,
          %mul3A_328 = arith.constant 224 : i32
          %mul3A_329 = vector.broadcast %mul3A_328 : i32 to vector<16xi32>
          %mul3A_330 = arith.muli %min3A_305, %mul3A_329 : vector<16xi32>
          %add3A_331 = vector.broadcast %mul3A_20 : i32 to vector<16xi32>
          %add3A_332 = arith.addi %add3A_331, %mul3A_330 : vector<16xi32>
          %add3A_333 = arith.addi %add3A_332, %min3A_281 : vector<16xi32>
          %swap3A_334 = arith.index_cast %sub3A_79 : i32 to index
          %swap3A_335 = arith.index_cast %mul3A_249 : i32 to index
          %swap3A_336 = tpu.vector_load %arg9[%swap3A_334, %swap3A_335] {strides = array<i32>} : memref<2x112xi32, #tpu.memory_space<vmem>>, vector<16xi32>,
          tpu.vector_store %arg9[%swap3A_334, %swap3A_335], %add3A_333 {strides = array<i32>} : memref<2x112xi32, #tpu.memory_space<vmem>>, vector<16xi32>,
          %mul3A_337 = arith.mulf %mul3A_312, %sub3A_317 : vector<16xf32>
          %swap3A_338 = arith.constant 0 : i32
          %swap3A_339 = arith.index_cast %sub3A_79 : i32 to index
          %swap3A_340 = arith.index_cast %swap3A_338 : i32 to index
          %swap3A_341 = arith.index_cast %mul3A_249 : i32 to index
          %swap3A_342 = tpu.vector_load %arg10[%swap3A_339, %swap3A_340, %swap3A_341] {strides = array<i32>} : memref<2x4x128xf32, #tpu.memory_space<vmem>>, vector<16xf32>,
          tpu.vector_store %arg10[%swap3A_339, %swap3A_340, %swap3A_341], %mul3A_337 {strides = array<i32>} : memref<2x4x128xf32, #tpu.memory_space<vmem>>, vector<16xf32>,
          %mul3A_343 = arith.mulf %mul3A_312, %sub3A_319 : vector<16xf32>
          %swap3A_344 = arith.constant 1 : i32
          %swap3A_345 = arith.index_cast %sub3A_79 : i32 to index
          %swap3A_346 = arith.index_cast %swap3A_344 : i32 to index
          %swap3A_347 = arith.index_cast %mul3A_249 : i32 to index
          %swap3A_348 = tpu.vector_load %arg10[%swap3A_345, %swap3A_346, %swap3A_347] {strides = array<i32>} : memref<2x4x128xf32, #tpu.memory_space<vmem>>, vector<16xf32>,
          tpu.vector_store %arg10[%swap3A_345, %swap3A_346, %swap3A_347], %mul3A_343 {strides = array<i32>} : memref<2x4x128xf32, #tpu.memory_space<vmem>>, vector<16xf32>,
          %mul3A_349 = arith.mulf %mul3A_315, %sub3A_317 : vector<16xf32>
          %swap3A_350 = arith.constant 2 : i32
          %swap3A_351 = arith.index_cast %sub3A_79 : i32 to index
          %swap3A_352 = arith.index_cast %swap3A_350 : i32 to index
          %swap3A_353 = arith.index_cast %mul3A_249 : i32 to index
          %swap3A_354 = tpu.vector_load %arg10[%swap3A_351, %swap3A_352, %swap3A_353] {strides = array<i32>} : memref<2x4x128xf32, #tpu.memory_space<vmem>>, vector<16xf32>,
          tpu.vector_store %arg10[%swap3A_351, %swap3A_352, %swap3A_353], %mul3A_349 {strides = array<i32>} : memref<2x4x128xf32, #tpu.memory_space<vmem>>, vector<16xf32>,
          %mul3A_355 = arith.mulf %mul3A_315, %sub3A_319 : vector<16xf32>
          %swap3A_356 = arith.constant 3 : i32
          %swap3A_357 = arith.index_cast %sub3A_79 : i32 to index
          %swap3A_358 = arith.index_cast %swap3A_356 : i32 to index
          %swap3A_359 = arith.index_cast %mul3A_249 : i32 to index
          %swap3A_360 = tpu.vector_load %arg10[%swap3A_357, %swap3A_358, %swap3A_359] {strides = array<i32>} : memref<2x4x128xf32, #tpu.memory_space<vmem>>, vector<16xf32>,
          tpu.vector_store %arg10[%swap3A_357, %swap3A_358, %swap3A_359], %mul3A_355 {strides = array<i32>} : memref<2x4x128xf32, #tpu.memory_space<vmem>>, vector<16xf32>,
        }
        %scan3A_220 = arith.constant 7 : i32
        %dma_start3A_221 = arith.constant 0 : i32
        %dma_start3A_222 = arith.constant 0 : i32
        %dma_start3A_223 = arith.constant 0 : i32
        %dma_start3A_224 = tpu.memref_slice %arg11[%sub3A_79, %dma_start3A_221, %dma_start3A_222, %dma_start3A_223] : memref<2x2x112x192xbf16, #tpu.memory_space<vmem>> -> memref<1x1x112x192xbf16, #tpu.memory_space<vmem>>
        %dma_start3A_225 = tpu.memref_squeeze %dma_start3A_224 : memref<1x1x112x192xbf16, #tpu.memory_space<vmem>> -> memref<112x192xbf16, #tpu.memory_space<vmem>>
        %dma_start3A_226 = arith.constant 0 : i32
        %dma_start3A_227 = tpu.memref_slice %arg8[%sub3A_79, %dma_start3A_226] : memref<2x112xi32, #tpu.memory_space<vmem>> -> memref<1x112xi32, #tpu.memory_space<vmem>>
        %dma_start3A_228 = tpu.memref_squeeze %dma_start3A_227 : memref<1x112xi32, #tpu.memory_space<vmem>> -> memref<112xi32, #tpu.memory_space<vmem>>
        %dma_start3A_229 = arith.constant 0 : i32
        %dma_start3A_230 = arith.constant 0 : i32
        %dma_start3A_231 = tpu.memref_slice %arg2[%dma_start3A_229, %dma_start3A_230] : memref<401408x192xbf16, #tpu.memory_space<hbm>> -> memref<401408x192xbf16, #tpu.memory_space<hbm>>
        %dma_start3A_232 = tpu.memref_slice %arg13[%sub3A_79] : memref<2x!tpu.dma_semaphore, #tpu.memory_space<semaphore_mem>> -> memref<1x!tpu.dma_semaphore, #tpu.memory_space<semaphore_mem>>
        %dma_start3A_233 = tpu.memref_squeeze %dma_start3A_232 : memref<1x!tpu.dma_semaphore, #tpu.memory_space<semaphore_mem>> -> memref<!tpu.dma_semaphore, #tpu.memory_space<semaphore_mem>>
        tpu.enqueue_indirect_dma source(%dma_start3A_231 : memref<401408x192xbf16, #tpu.memory_space<hbm>>) target(%dma_start3A_225 : memref<112x192xbf16, #tpu.memory_space<vmem>>) offsets(%dma_start3A_228 : memref<112xi32, #tpu.memory_space<vmem>>) semaphore(%dma_start3A_233 : memref<!tpu.dma_semaphore, #tpu.memory_space<semaphore_mem>>)
        %dma_start3A_234 = arith.constant 1 : i32
        %dma_start3A_235 = arith.constant 0 : i32
        %dma_start3A_236 = arith.constant 0 : i32
        %dma_start3A_237 = tpu.memref_slice %arg11[%sub3A_79, %dma_start3A_234, %dma_start3A_235, %dma_start3A_236] : memref<2x2x112x192xbf16, #tpu.memory_space<vmem>> -> memref<1x1x112x192xbf16, #tpu.memory_space<vmem>>
        %dma_start3A_238 = tpu.memref_squeeze %dma_start3A_237 : memref<1x1x112x192xbf16, #tpu.memory_space<vmem>> -> memref<112x192xbf16, #tpu.memory_space<vmem>>
        %dma_start3A_239 = arith.constant 0 : i32
        %dma_start3A_240 = tpu.memref_slice %arg9[%sub3A_79, %dma_start3A_239] : memref<2x112xi32, #tpu.memory_space<vmem>> -> memref<1x112xi32, #tpu.memory_space<vmem>>
        %dma_start3A_241 = tpu.memref_squeeze %dma_start3A_240 : memref<1x112xi32, #tpu.memory_space<vmem>> -> memref<112xi32, #tpu.memory_space<vmem>>
        %dma_start3A_242 = arith.constant 0 : i32
        %dma_start3A_243 = arith.constant 0 : i32
        %dma_start3A_244 = tpu.memref_slice %arg2[%dma_start3A_242, %dma_start3A_243] : memref<401408x192xbf16, #tpu.memory_space<hbm>> -> memref<401408x192xbf16, #tpu.memory_space<hbm>>
        %dma_start3A_245 = tpu.memref_slice %arg13[%sub3A_79] : memref<2x!tpu.dma_semaphore, #tpu.memory_space<semaphore_mem>> -> memref<1x!tpu.dma_semaphore, #tpu.memory_space<semaphore_mem>>
        %dma_start3A_246 = tpu.memref_squeeze %dma_start3A_245 : memref<1x!tpu.dma_semaphore, #tpu.memory_space<semaphore_mem>> -> memref<!tpu.dma_semaphore, #tpu.memory_space<semaphore_mem>>
        tpu.enqueue_indirect_dma source(%dma_start3A_244 : memref<401408x192xbf16, #tpu.memory_space<hbm>>) target(%dma_start3A_238 : memref<112x192xbf16, #tpu.memory_space<vmem>>) offsets(%dma_start3A_241 : memref<112xi32, #tpu.memory_space<vmem>>) semaphore(%dma_start3A_246 : memref<!tpu.dma_semaphore, #tpu.memory_space<semaphore_mem>>)
      } else {
      }
      %dma_wait3A = arith.constant 0 : i32
      %dma_wait3A_85 = arith.constant 0 : i32
      %dma_wait3A_86 = arith.constant 0 : i32
      %dma_wait3A_87 = tpu.memref_slice %arg11[%select_n3A_77, %dma_wait3A, %dma_wait3A_85, %dma_wait3A_86] : memref<2x2x112x192xbf16, #tpu.memory_space<vmem>> -> memref<1x1x112x192xbf16, #tpu.memory_space<vmem>>
      %dma_wait3A_88 = tpu.memref_squeeze %dma_wait3A_87 : memref<1x1x112x192xbf16, #tpu.memory_space<vmem>> -> memref<112x192xbf16, #tpu.memory_space<vmem>>
      %dma_wait3A_89 = arith.constant 0 : i32
      %dma_wait3A_90 = tpu.memref_slice %arg8[%select_n3A_77, %dma_wait3A_89] : memref<2x112xi32, #tpu.memory_space<vmem>> -> memref<1x112xi32, #tpu.memory_space<vmem>>
      %dma_wait3A_91 = tpu.memref_squeeze %dma_wait3A_90 : memref<1x112xi32, #tpu.memory_space<vmem>> -> memref<112xi32, #tpu.memory_space<vmem>>
      %dma_wait3A_92 = arith.constant 0 : i32
      %dma_wait3A_93 = arith.constant 0 : i32
      %dma_wait3A_94 = tpu.memref_slice %arg2[%dma_wait3A_92, %dma_wait3A_93] : memref<401408x192xbf16, #tpu.memory_space<hbm>> -> memref<401408x192xbf16, #tpu.memory_space<hbm>>
      %dma_wait3A_95 = tpu.memref_slice %arg13[%select_n3A_77] : memref<2x!tpu.dma_semaphore, #tpu.memory_space<semaphore_mem>> -> memref<1x!tpu.dma_semaphore, #tpu.memory_space<semaphore_mem>>
      %dma_wait3A_96 = tpu.memref_squeeze %dma_wait3A_95 : memref<1x!tpu.dma_semaphore, #tpu.memory_space<semaphore_mem>> -> memref<!tpu.dma_semaphore, #tpu.memory_space<semaphore_mem>>
      tpu.wait_indirect_dma semaphore(%dma_wait3A_96 : memref<!tpu.dma_semaphore, #tpu.memory_space<semaphore_mem>>) src(%dma_wait3A_94 : memref<401408x192xbf16, #tpu.memory_space<hbm>>) dst(%dma_wait3A_88 : memref<112x192xbf16, #tpu.memory_space<vmem>>)
      %dma_wait3A_97 = arith.constant 1 : i32
      %dma_wait3A_98 = arith.constant 0 : i32
      %dma_wait3A_99 = arith.constant 0 : i32
      %dma_wait3A_100 = tpu.memref_slice %arg11[%select_n3A_77, %dma_wait3A_97, %dma_wait3A_98, %dma_wait3A_99] : memref<2x2x112x192xbf16, #tpu.memory_space<vmem>> -> memref<1x1x112x192xbf16, #tpu.memory_space<vmem>>
      %dma_wait3A_101 = tpu.memref_squeeze %dma_wait3A_100 : memref<1x1x112x192xbf16, #tpu.memory_space<vmem>> -> memref<112x192xbf16, #tpu.memory_space<vmem>>
      %dma_wait3A_102 = arith.constant 0 : i32
      %dma_wait3A_103 = tpu.memref_slice %arg9[%select_n3A_77, %dma_wait3A_102] : memref<2x112xi32, #tpu.memory_space<vmem>> -> memref<1x112xi32, #tpu.memory_space<vmem>>
      %dma_wait3A_104 = tpu.memref_squeeze %dma_wait3A_103 : memref<1x112xi32, #tpu.memory_space<vmem>> -> memref<112xi32, #tpu.memory_space<vmem>>
      %dma_wait3A_105 = arith.constant 0 : i32
      %dma_wait3A_106 = arith.constant 0 : i32
      %dma_wait3A_107 = tpu.memref_slice %arg2[%dma_wait3A_105, %dma_wait3A_106] : memref<401408x192xbf16, #tpu.memory_space<hbm>> -> memref<401408x192xbf16, #tpu.memory_space<hbm>>
      %dma_wait3A_108 = tpu.memref_slice %arg13[%select_n3A_77] : memref<2x!tpu.dma_semaphore, #tpu.memory_space<semaphore_mem>> -> memref<1x!tpu.dma_semaphore, #tpu.memory_space<semaphore_mem>>
      %dma_wait3A_109 = tpu.memref_squeeze %dma_wait3A_108 : memref<1x!tpu.dma_semaphore, #tpu.memory_space<semaphore_mem>> -> memref<!tpu.dma_semaphore, #tpu.memory_space<semaphore_mem>>
      tpu.wait_indirect_dma semaphore(%dma_wait3A_109 : memref<!tpu.dma_semaphore, #tpu.memory_space<semaphore_mem>>) src(%dma_wait3A_107 : memref<401408x192xbf16, #tpu.memory_space<hbm>>) dst(%dma_wait3A_101 : memref<112x192xbf16, #tpu.memory_space<vmem>>)
      %iota3A = tpu.iota {dimensions = array<i32: 0>} : vector<16xi32>
      %mul3A_110 = arith.constant 2 : i32
      %mul3A_111 = vector.broadcast %mul3A_110 : i32 to vector<16xi32>
      %mul3A_112 = arith.muli %iota3A, %mul3A_111 : vector<16xi32>
      %scan3A_113 = arith.constant 0 : i32
      %scan3A_114 = arith.constant 0 : i32
      %scan3A_115 = arith.constant 112 : i32
      %scan3A_116 = arith.addi %scan3A_114, %scan3A_115 : i32
      %scan3A_117 = arith.constant 1 : i32
      scf.for %scan3A_213 = %scan3A_114 to %scan3A_116 step %scan3A_117  : i32 {
        %get3A = arith.constant 0 : i32
        %get3A_214 = arith.index_cast %select_n3A_77 : i32 to index
        %get3A_215 = arith.index_cast %get3A : i32 to index
        %get3A_216 = arith.index_cast %scan3A_213 : i32 to index
        %get3A_217 = tpu.vector_load %arg10[%get3A_214, %get3A_215, %get3A_216] {strides = array<i32>} : memref<2x4x128xf32, #tpu.memory_space<vmem>>, vector<16xf32>,
        %slice3A = vector.extract_strided_slice %get3A_217 {offsets = [0], sizes = [1], strides = [1]} : vector<16xf32> to vector<1xf32>
        %squeeze3A = vector.extract %slice3A[0] : f32 from vector<1xf32>
        %get3A_218 = arith.constant 1 : i32
        %get3A_219 = arith.index_cast %select_n3A_77 : i32 to index
        %get3A_220 = arith.index_cast %get3A_218 : i32 to index
        %get3A_221 = arith.index_cast %scan3A_213 : i32 to index
        %get3A_222 = tpu.vector_load %arg10[%get3A_219, %get3A_220, %get3A_221] {strides = array<i32>} : memref<2x4x128xf32, #tpu.memory_space<vmem>>, vector<16xf32>,
        %slice3A_223 = vector.extract_strided_slice %get3A_222 {offsets = [0], sizes = [1], strides = [1]} : vector<16xf32> to vector<1xf32>
        %squeeze3A_224 = vector.extract %slice3A_223[0] : f32 from vector<1xf32>
        %get3A_225 = arith.constant 2 : i32
        %get3A_226 = arith.index_cast %select_n3A_77 : i32 to index
        %get3A_227 = arith.index_cast %get3A_225 : i32 to index
        %get3A_228 = arith.index_cast %scan3A_213 : i32 to index
        %get3A_229 = tpu.vector_load %arg10[%get3A_226, %get3A_227, %get3A_228] {strides = array<i32>} : memref<2x4x128xf32, #tpu.memory_space<vmem>>, vector<16xf32>,
        %slice3A_230 = vector.extract_strided_slice %get3A_229 {offsets = [0], sizes = [1], strides = [1]} : vector<16xf32> to vector<1xf32>
        %squeeze3A_231 = vector.extract %slice3A_230[0] : f32 from vector<1xf32>
        %get3A_232 = arith.constant 3 : i32
        %get3A_233 = arith.index_cast %select_n3A_77 : i32 to index
        %get3A_234 = arith.index_cast %get3A_232 : i32 to index
        %get3A_235 = arith.index_cast %scan3A_213 : i32 to index
        %get3A_236 = tpu.vector_load %arg10[%get3A_233, %get3A_234, %get3A_235] {strides = array<i32>} : memref<2x4x128xf32, #tpu.memory_space<vmem>>, vector<16xf32>,
        %slice3A_237 = vector.extract_strided_slice %get3A_236 {offsets = [0], sizes = [1], strides = [1]} : vector<16xf32> to vector<1xf32>
        %squeeze3A_238 = vector.extract %slice3A_237[0] : f32 from vector<1xf32>
        %get3A_239 = arith.constant 0 : i32
        %get3A_240 = arith.index_cast %select_n3A_77 : i32 to index
        %get3A_241 = arith.index_cast %get3A_239 : i32 to index
        %get3A_242 = arith.index_cast %scan3A_213 : i32 to index
        %get3A_243 = arith.constant 0 : index
        %get3A_244 = tpu.vector_load %arg11[%get3A_240, %get3A_241, %get3A_242, %get3A_243] {strides = array<i32>} : memref<2x2x112x192xbf16, #tpu.memory_space<vmem>>, vector<32xbf16>,
        %unpack3A = tpu.unpack_subelements %get3A_244, 0 {pack_format = #tpu.pack_format<interleaved>} : vector<32xbf16> -> vector<16xf32>
        %unpack3A_245 = tpu.unpack_subelements %get3A_244, 1 {pack_format = #tpu.pack_format<interleaved>} : vector<32xbf16> -> vector<16xf32>
        %get3A_246 = arith.constant 0 : i32
        %get3A_247 = arith.index_cast %select_n3A_77 : i32 to index
        %get3A_248 = arith.index_cast %get3A_246 : i32 to index
        %get3A_249 = arith.index_cast %scan3A_213 : i32 to index
        %get3A_250 = arith.constant 96 : index
        %get3A_251 = tpu.vector_load %arg11[%get3A_247, %get3A_248, %get3A_249, %get3A_250] {strides = array<i32>} : memref<2x2x112x192xbf16, #tpu.memory_space<vmem>>, vector<32xbf16>,
        %unpack3A_252 = tpu.unpack_subelements %get3A_251, 0 {pack_format = #tpu.pack_format<interleaved>} : vector<32xbf16> -> vector<16xf32>
        %unpack3A_253 = tpu.unpack_subelements %get3A_251, 1 {pack_format = #tpu.pack_format<interleaved>} : vector<32xbf16> -> vector<16xf32>
        %get3A_254 = arith.constant 1 : i32
        %get3A_255 = arith.index_cast %select_n3A_77 : i32 to index
        %get3A_256 = arith.index_cast %get3A_254 : i32 to index
        %get3A_257 = arith.index_cast %scan3A_213 : i32 to index
        %get3A_258 = arith.constant 0 : index
        %get3A_259 = tpu.vector_load %arg11[%get3A_255, %get3A_256, %get3A_257, %get3A_258] {strides = array<i32>} : memref<2x2x112x192xbf16, #tpu.memory_space<vmem>>, vector<32xbf16>,
        %unpack3A_260 = tpu.unpack_subelements %get3A_259, 0 {pack_format = #tpu.pack_format<interleaved>} : vector<32xbf16> -> vector<16xf32>
        %unpack3A_261 = tpu.unpack_subelements %get3A_259, 1 {pack_format = #tpu.pack_format<interleaved>} : vector<32xbf16> -> vector<16xf32>
        %get3A_262 = arith.constant 1 : i32
        %get3A_263 = arith.index_cast %select_n3A_77 : i32 to index
        %get3A_264 = arith.index_cast %get3A_262 : i32 to index
        %get3A_265 = arith.index_cast %scan3A_213 : i32 to index
        %get3A_266 = arith.constant 96 : index
        %get3A_267 = tpu.vector_load %arg11[%get3A_263, %get3A_264, %get3A_265, %get3A_266] {strides = array<i32>} : memref<2x2x112x192xbf16, #tpu.memory_space<vmem>>, vector<32xbf16>,
        %unpack3A_268 = tpu.unpack_subelements %get3A_267, 0 {pack_format = #tpu.pack_format<interleaved>} : vector<32xbf16> -> vector<16xf32>
        %unpack3A_269 = tpu.unpack_subelements %get3A_267, 1 {pack_format = #tpu.pack_format<interleaved>} : vector<32xbf16> -> vector<16xf32>
        %add3A_270 = arith.constant 0 : i32
        %add3A_271 = vector.broadcast %add3A_270 : i32 to vector<16xi32>
        %add3A_272 = arith.addi %mul3A_112, %add3A_271 : vector<16xi32>
        %mul3A_273 = vector.broadcast %squeeze3A : f32 to vector<16xf32>
        %mul3A_274 = arith.mulf %unpack3A, %mul3A_273 : vector<16xf32>
        %mul3A_275 = vector.broadcast %squeeze3A_224 : f32 to vector<16xf32>
        %mul3A_276 = arith.mulf %unpack3A_260, %mul3A_275 : vector<16xf32>
        %add3A_277 = arith.addf %mul3A_274, %mul3A_276 : vector<16xf32>
        %mul3A_278 = vector.broadcast %squeeze3A_231 : f32 to vector<16xf32>
        %mul3A_279 = arith.mulf %unpack3A_252, %mul3A_278 : vector<16xf32>
        %add3A_280 = arith.addf %add3A_277, %mul3A_279 : vector<16xf32>
        %mul3A_281 = vector.broadcast %squeeze3A_238 : f32 to vector<16xf32>
        %mul3A_282 = arith.mulf %unpack3A_268, %mul3A_281 : vector<16xf32>
        %add3A_283 = arith.addf %add3A_280, %mul3A_282 : vector<16xf32>
        %scatter3A = arith.constant 0 : i32
        %scatter3A_284 = tpu.memref_slice %arg12[%scan3A_213, %scatter3A] : memref<112x96xf32, #tpu.memory_space<vmem>> -> memref<1x96xf32, #tpu.memory_space<vmem>>
        %scatter3A_285 = tpu.memref_squeeze %scatter3A_284 : memref<1x96xf32, #tpu.memory_space<vmem>> -> memref<96xf32, #tpu.memory_space<vmem>>
        tpu.vector_store_idx %scatter3A_285[%add3A_272], %add3A_283 : memref<96xf32, #tpu.memory_space<vmem>>[vector<16xi32>], vector<16xf32>,
        %add3A_286 = arith.constant 1 : i32
        %add3A_287 = vector.broadcast %add3A_286 : i32 to vector<16xi32>
        %add3A_288 = arith.addi %mul3A_112, %add3A_287 : vector<16xi32>
        %mul3A_289 = vector.broadcast %squeeze3A : f32 to vector<16xf32>
        %mul3A_290 = arith.mulf %unpack3A_245, %mul3A_289 : vector<16xf32>
        %mul3A_291 = vector.broadcast %squeeze3A_224 : f32 to vector<16xf32>
        %mul3A_292 = arith.mulf %unpack3A_261, %mul3A_291 : vector<16xf32>
        %add3A_293 = arith.addf %mul3A_290, %mul3A_292 : vector<16xf32>
        %mul3A_294 = vector.broadcast %squeeze3A_231 : f32 to vector<16xf32>
        %mul3A_295 = arith.mulf %unpack3A_253, %mul3A_294 : vector<16xf32>
        %add3A_296 = arith.addf %add3A_293, %mul3A_295 : vector<16xf32>
        %mul3A_297 = vector.broadcast %squeeze3A_238 : f32 to vector<16xf32>
        %mul3A_298 = arith.mulf %unpack3A_269, %mul3A_297 : vector<16xf32>
        %add3A_299 = arith.addf %add3A_296, %mul3A_298 : vector<16xf32>
        %scatter3A_300 = arith.constant 0 : i32
        %scatter3A_301 = tpu.memref_slice %arg12[%scan3A_213, %scatter3A_300] : memref<112x96xf32, #tpu.memory_space<vmem>> -> memref<1x96xf32, #tpu.memory_space<vmem>>
        %scatter3A_302 = tpu.memref_squeeze %scatter3A_301 : memref<1x96xf32, #tpu.memory_space<vmem>> -> memref<96xf32, #tpu.memory_space<vmem>>
        tpu.vector_store_idx %scatter3A_302[%add3A_288], %add3A_299 : memref<96xf32, #tpu.memory_space<vmem>>[vector<16xi32>], vector<16xf32>,
        %get3A_303 = arith.constant 0 : i32
        %get3A_304 = arith.index_cast %select_n3A_77 : i32 to index
        %get3A_305 = arith.index_cast %get3A_303 : i32 to index
        %get3A_306 = arith.index_cast %scan3A_213 : i32 to index
        %get3A_307 = arith.constant 32 : index
        %get3A_308 = tpu.vector_load %arg11[%get3A_304, %get3A_305, %get3A_306, %get3A_307] {strides = array<i32>} : memref<2x2x112x192xbf16, #tpu.memory_space<vmem>>, vector<32xbf16>,
        %unpack3A_309 = tpu.unpack_subelements %get3A_308, 0 {pack_format = #tpu.pack_format<interleaved>} : vector<32xbf16> -> vector<16xf32>
        %unpack3A_310 = tpu.unpack_subelements %get3A_308, 1 {pack_format = #tpu.pack_format<interleaved>} : vector<32xbf16> -> vector<16xf32>
        %get3A_311 = arith.constant 0 : i32
        %get3A_312 = arith.index_cast %select_n3A_77 : i32 to index
        %get3A_313 = arith.index_cast %get3A_311 : i32 to index
        %get3A_314 = arith.index_cast %scan3A_213 : i32 to index
        %get3A_315 = arith.constant 128 : index
        %get3A_316 = tpu.vector_load %arg11[%get3A_312, %get3A_313, %get3A_314, %get3A_315] {strides = array<i32>} : memref<2x2x112x192xbf16, #tpu.memory_space<vmem>>, vector<32xbf16>,
        %unpack3A_317 = tpu.unpack_subelements %get3A_316, 0 {pack_format = #tpu.pack_format<interleaved>} : vector<32xbf16> -> vector<16xf32>
        %unpack3A_318 = tpu.unpack_subelements %get3A_316, 1 {pack_format = #tpu.pack_format<interleaved>} : vector<32xbf16> -> vector<16xf32>
        %get3A_319 = arith.constant 1 : i32
        %get3A_320 = arith.index_cast %select_n3A_77 : i32 to index
        %get3A_321 = arith.index_cast %get3A_319 : i32 to index
        %get3A_322 = arith.index_cast %scan3A_213 : i32 to index
        %get3A_323 = arith.constant 32 : index
        %get3A_324 = tpu.vector_load %arg11[%get3A_320, %get3A_321, %get3A_322, %get3A_323] {strides = array<i32>} : memref<2x2x112x192xbf16, #tpu.memory_space<vmem>>, vector<32xbf16>,
        %unpack3A_325 = tpu.unpack_subelements %get3A_324, 0 {pack_format = #tpu.pack_format<interleaved>} : vector<32xbf16> -> vector<16xf32>
        %unpack3A_326 = tpu.unpack_subelements %get3A_324, 1 {pack_format = #tpu.pack_format<interleaved>} : vector<32xbf16> -> vector<16xf32>
        %get3A_327 = arith.constant 1 : i32
        %get3A_328 = arith.index_cast %select_n3A_77 : i32 to index
        %get3A_329 = arith.index_cast %get3A_327 : i32 to index
        %get3A_330 = arith.index_cast %scan3A_213 : i32 to index
        %get3A_331 = arith.constant 128 : index
        %get3A_332 = tpu.vector_load %arg11[%get3A_328, %get3A_329, %get3A_330, %get3A_331] {strides = array<i32>} : memref<2x2x112x192xbf16, #tpu.memory_space<vmem>>, vector<32xbf16>,
        %unpack3A_333 = tpu.unpack_subelements %get3A_332, 0 {pack_format = #tpu.pack_format<interleaved>} : vector<32xbf16> -> vector<16xf32>
        %unpack3A_334 = tpu.unpack_subelements %get3A_332, 1 {pack_format = #tpu.pack_format<interleaved>} : vector<32xbf16> -> vector<16xf32>
        %add3A_335 = arith.constant 32 : i32
        %add3A_336 = vector.broadcast %add3A_335 : i32 to vector<16xi32>
        %add3A_337 = arith.addi %mul3A_112, %add3A_336 : vector<16xi32>
        %mul3A_338 = vector.broadcast %squeeze3A : f32 to vector<16xf32>
        %mul3A_339 = arith.mulf %unpack3A_309, %mul3A_338 : vector<16xf32>
        %mul3A_340 = vector.broadcast %squeeze3A_224 : f32 to vector<16xf32>
        %mul3A_341 = arith.mulf %unpack3A_325, %mul3A_340 : vector<16xf32>
        %add3A_342 = arith.addf %mul3A_339, %mul3A_341 : vector<16xf32>
        %mul3A_343 = vector.broadcast %squeeze3A_231 : f32 to vector<16xf32>
        %mul3A_344 = arith.mulf %unpack3A_317, %mul3A_343 : vector<16xf32>
        %add3A_345 = arith.addf %add3A_342, %mul3A_344 : vector<16xf32>
        %mul3A_346 = vector.broadcast %squeeze3A_238 : f32 to vector<16xf32>
        %mul3A_347 = arith.mulf %unpack3A_333, %mul3A_346 : vector<16xf32>
        %add3A_348 = arith.addf %add3A_345, %mul3A_347 : vector<16xf32>
        %scatter3A_349 = arith.constant 0 : i32
        %scatter3A_350 = tpu.memref_slice %arg12[%scan3A_213, %scatter3A_349] : memref<112x96xf32, #tpu.memory_space<vmem>> -> memref<1x96xf32, #tpu.memory_space<vmem>>
        %scatter3A_351 = tpu.memref_squeeze %scatter3A_350 : memref<1x96xf32, #tpu.memory_space<vmem>> -> memref<96xf32, #tpu.memory_space<vmem>>
        tpu.vector_store_idx %scatter3A_351[%add3A_337], %add3A_348 : memref<96xf32, #tpu.memory_space<vmem>>[vector<16xi32>], vector<16xf32>,
        %add3A_352 = arith.constant 33 : i32
        %add3A_353 = vector.broadcast %add3A_352 : i32 to vector<16xi32>
        %add3A_354 = arith.addi %mul3A_112, %add3A_353 : vector<16xi32>
        %mul3A_355 = vector.broadcast %squeeze3A : f32 to vector<16xf32>
        %mul3A_356 = arith.mulf %unpack3A_310, %mul3A_355 : vector<16xf32>
        %mul3A_357 = vector.broadcast %squeeze3A_224 : f32 to vector<16xf32>
        %mul3A_358 = arith.mulf %unpack3A_326, %mul3A_357 : vector<16xf32>
        %add3A_359 = arith.addf %mul3A_356, %mul3A_358 : vector<16xf32>
        %mul3A_360 = vector.broadcast %squeeze3A_231 : f32 to vector<16xf32>
        %mul3A_361 = arith.mulf %unpack3A_318, %mul3A_360 : vector<16xf32>
        %add3A_362 = arith.addf %add3A_359, %mul3A_361 : vector<16xf32>
        %mul3A_363 = vector.broadcast %squeeze3A_238 : f32 to vector<16xf32>
        %mul3A_364 = arith.mulf %unpack3A_334, %mul3A_363 : vector<16xf32>
        %add3A_365 = arith.addf %add3A_362, %mul3A_364 : vector<16xf32>
        %scatter3A_366 = arith.constant 0 : i32
        %scatter3A_367 = tpu.memref_slice %arg12[%scan3A_213, %scatter3A_366] : memref<112x96xf32, #tpu.memory_space<vmem>> -> memref<1x96xf32, #tpu.memory_space<vmem>>
        %scatter3A_368 = tpu.memref_squeeze %scatter3A_367 : memref<1x96xf32, #tpu.memory_space<vmem>> -> memref<96xf32, #tpu.memory_space<vmem>>
        tpu.vector_store_idx %scatter3A_368[%add3A_354], %add3A_365 : memref<96xf32, #tpu.memory_space<vmem>>[vector<16xi32>], vector<16xf32>,
        %get3A_369 = arith.constant 0 : i32
        %get3A_370 = arith.index_cast %select_n3A_77 : i32 to index
        %get3A_371 = arith.index_cast %get3A_369 : i32 to index
        %get3A_372 = arith.index_cast %scan3A_213 : i32 to index
        %get3A_373 = arith.constant 64 : index
        %get3A_374 = tpu.vector_load %arg11[%get3A_370, %get3A_371, %get3A_372, %get3A_373] {strides = array<i32>} : memref<2x2x112x192xbf16, #tpu.memory_space<vmem>>, vector<32xbf16>,
        %unpack3A_375 = tpu.unpack_subelements %get3A_374, 0 {pack_format = #tpu.pack_format<interleaved>} : vector<32xbf16> -> vector<16xf32>
        %unpack3A_376 = tpu.unpack_subelements %get3A_374, 1 {pack_format = #tpu.pack_format<interleaved>} : vector<32xbf16> -> vector<16xf32>
        %get3A_377 = arith.constant 0 : i32
        %get3A_378 = arith.index_cast %select_n3A_77 : i32 to index
        %get3A_379 = arith.index_cast %get3A_377 : i32 to index
        %get3A_380 = arith.index_cast %scan3A_213 : i32 to index
        %get3A_381 = arith.constant 160 : index
        %get3A_382 = tpu.vector_load %arg11[%get3A_378, %get3A_379, %get3A_380, %get3A_381] {strides = array<i32>} : memref<2x2x112x192xbf16, #tpu.memory_space<vmem>>, vector<32xbf16>,
        %unpack3A_383 = tpu.unpack_subelements %get3A_382, 0 {pack_format = #tpu.pack_format<interleaved>} : vector<32xbf16> -> vector<16xf32>
        %unpack3A_384 = tpu.unpack_subelements %get3A_382, 1 {pack_format = #tpu.pack_format<interleaved>} : vector<32xbf16> -> vector<16xf32>
        %get3A_385 = arith.constant 1 : i32
        %get3A_386 = arith.index_cast %select_n3A_77 : i32 to index
        %get3A_387 = arith.index_cast %get3A_385 : i32 to index
        %get3A_388 = arith.index_cast %scan3A_213 : i32 to index
        %get3A_389 = arith.constant 64 : index
        %get3A_390 = tpu.vector_load %arg11[%get3A_386, %get3A_387, %get3A_388, %get3A_389] {strides = array<i32>} : memref<2x2x112x192xbf16, #tpu.memory_space<vmem>>, vector<32xbf16>,
        %unpack3A_391 = tpu.unpack_subelements %get3A_390, 0 {pack_format = #tpu.pack_format<interleaved>} : vector<32xbf16> -> vector<16xf32>
        %unpack3A_392 = tpu.unpack_subelements %get3A_390, 1 {pack_format = #tpu.pack_format<interleaved>} : vector<32xbf16> -> vector<16xf32>
        %get3A_393 = arith.constant 1 : i32
        %get3A_394 = arith.index_cast %select_n3A_77 : i32 to index
        %get3A_395 = arith.index_cast %get3A_393 : i32 to index
        %get3A_396 = arith.index_cast %scan3A_213 : i32 to index
        %get3A_397 = arith.constant 160 : index
        %get3A_398 = tpu.vector_load %arg11[%get3A_394, %get3A_395, %get3A_396, %get3A_397] {strides = array<i32>} : memref<2x2x112x192xbf16, #tpu.memory_space<vmem>>, vector<32xbf16>,
        %unpack3A_399 = tpu.unpack_subelements %get3A_398, 0 {pack_format = #tpu.pack_format<interleaved>} : vector<32xbf16> -> vector<16xf32>
        %unpack3A_400 = tpu.unpack_subelements %get3A_398, 1 {pack_format = #tpu.pack_format<interleaved>} : vector<32xbf16> -> vector<16xf32>
        %add3A_401 = arith.constant 64 : i32
        %add3A_402 = vector.broadcast %add3A_401 : i32 to vector<16xi32>
        %add3A_403 = arith.addi %mul3A_112, %add3A_402 : vector<16xi32>
        %mul3A_404 = vector.broadcast %squeeze3A : f32 to vector<16xf32>
        %mul3A_405 = arith.mulf %unpack3A_375, %mul3A_404 : vector<16xf32>
        %mul3A_406 = vector.broadcast %squeeze3A_224 : f32 to vector<16xf32>
        %mul3A_407 = arith.mulf %unpack3A_391, %mul3A_406 : vector<16xf32>
        %add3A_408 = arith.addf %mul3A_405, %mul3A_407 : vector<16xf32>
        %mul3A_409 = vector.broadcast %squeeze3A_231 : f32 to vector<16xf32>
        %mul3A_410 = arith.mulf %unpack3A_383, %mul3A_409 : vector<16xf32>
        %add3A_411 = arith.addf %add3A_408, %mul3A_410 : vector<16xf32>
        %mul3A_412 = vector.broadcast %squeeze3A_238 : f32 to vector<16xf32>
        %mul3A_413 = arith.mulf %unpack3A_399, %mul3A_412 : vector<16xf32>
        %add3A_414 = arith.addf %add3A_411, %mul3A_413 : vector<16xf32>
        %scatter3A_415 = arith.constant 0 : i32
        %scatter3A_416 = tpu.memref_slice %arg12[%scan3A_213, %scatter3A_415] : memref<112x96xf32, #tpu.memory_space<vmem>> -> memref<1x96xf32, #tpu.memory_space<vmem>>
        %scatter3A_417 = tpu.memref_squeeze %scatter3A_416 : memref<1x96xf32, #tpu.memory_space<vmem>> -> memref<96xf32, #tpu.memory_space<vmem>>
        tpu.vector_store_idx %scatter3A_417[%add3A_403], %add3A_414 : memref<96xf32, #tpu.memory_space<vmem>>[vector<16xi32>], vector<16xf32>,
        %add3A_418 = arith.constant 65 : i32
        %add3A_419 = vector.broadcast %add3A_418 : i32 to vector<16xi32>
        %add3A_420 = arith.addi %mul3A_112, %add3A_419 : vector<16xi32>
        %mul3A_421 = vector.broadcast %squeeze3A : f32 to vector<16xf32>
        %mul3A_422 = arith.mulf %unpack3A_376, %mul3A_421 : vector<16xf32>
        %mul3A_423 = vector.broadcast %squeeze3A_224 : f32 to vector<16xf32>
        %mul3A_424 = arith.mulf %unpack3A_392, %mul3A_423 : vector<16xf32>
        %add3A_425 = arith.addf %mul3A_422, %mul3A_424 : vector<16xf32>
        %mul3A_426 = vector.broadcast %squeeze3A_231 : f32 to vector<16xf32>
        %mul3A_427 = arith.mulf %unpack3A_384, %mul3A_426 : vector<16xf32>
        %add3A_428 = arith.addf %add3A_425, %mul3A_427 : vector<16xf32>
        %mul3A_429 = vector.broadcast %squeeze3A_238 : f32 to vector<16xf32>
        %mul3A_430 = arith.mulf %unpack3A_400, %mul3A_429 : vector<16xf32>
        %add3A_431 = arith.addf %add3A_428, %mul3A_430 : vector<16xf32>
        %scatter3A_432 = arith.constant 0 : i32
        %scatter3A_433 = tpu.memref_slice %arg12[%scan3A_213, %scatter3A_432] : memref<112x96xf32, #tpu.memory_space<vmem>> -> memref<1x96xf32, #tpu.memory_space<vmem>>
        %scatter3A_434 = tpu.memref_squeeze %scatter3A_433 : memref<1x96xf32, #tpu.memory_space<vmem>> -> memref<96xf32, #tpu.memory_space<vmem>>
        tpu.vector_store_idx %scatter3A_434[%add3A_420], %add3A_431 : memref<96xf32, #tpu.memory_space<vmem>>[vector<16xi32>], vector<16xf32>,
      }
      %scan3A_118 = arith.constant 112 : i32
      %mul3A_119 = arith.constant 112 : i32
      %mul3A_120 = arith.muli %scan3A_63, %mul3A_119 : i32
      %add3A_121 = arith.addi %mul3A_2, %mul3A_120 : i32
      %jit3A_122 = arith.constant 4 : i32
      %div3A_123 = arith.divsi %add3A, %jit3A_122 : i32
      %sign3A_124 = arith.constant 0 : i32
      %sign3A_125 = arith.cmpi sgt, %add3A, %sign3A_124 : i32
      %sign3A_126 = arith.extui %sign3A_125 : i1 to i32
      %sign3A_127 = arith.constant 0 : i32
      %sign3A_128 = arith.cmpi slt, %add3A, %sign3A_127 : i32
      %sign3A_129 = arith.extui %sign3A_128 : i1 to i32
      %sign3A_130 = arith.subi %sign3A_126, %sign3A_129 : i32
      %sign3A_131 = arith.constant 0 : i32
      %sign3A_132 = arith.cmpi sgt, %jit3A_122, %sign3A_131 : i32
      %sign3A_133 = arith.extui %sign3A_132 : i1 to i32
      %sign3A_134 = arith.constant 0 : i32
      %sign3A_135 = arith.cmpi slt, %jit3A_122, %sign3A_134 : i32
      %sign3A_136 = arith.extui %sign3A_135 : i1 to i32
      %sign3A_137 = arith.subi %sign3A_133, %sign3A_136 : i32
      %ne3A_138 = arith.cmpi ne, %sign3A_130, %sign3A_137 : i32
      %rem3A_139 = arith.remsi %add3A, %jit3A_122 : i32
      %ne3A_140 = arith.constant 0 : i32
      %ne3A_141 = arith.cmpi ne, %rem3A_139, %ne3A_140 : i32
      %and3A_142 = arith.andi %ne3A_138, %ne3A_141 : i1
      %sub3A_143 = arith.constant 1 : i32
      %sub3A_144 = arith.subi %div3A_123, %sub3A_143 : i32
      %select_n3A_145 = arith.select %and3A_142, %sub3A_144, %div3A_123 : i32
      %mul3A_146 = arith.constant 50176 : i32
      %mul3A_147 = arith.muli %select_n3A_145, %mul3A_146 : i32
      %sub3A_148 = arith.subi %add3A_121, %mul3A_147 : i32
      %jit3A_149 = arith.constant 4 : i32
      %div3A_150 = arith.divsi %add3A, %jit3A_149 : i32
      %sign3A_151 = arith.constant 0 : i32
      %sign3A_152 = arith.cmpi sgt, %add3A, %sign3A_151 : i32
      %sign3A_153 = arith.extui %sign3A_152 : i1 to i32
      %sign3A_154 = arith.constant 0 : i32
      %sign3A_155 = arith.cmpi slt, %add3A, %sign3A_154 : i32
      %sign3A_156 = arith.extui %sign3A_155 : i1 to i32
      %sign3A_157 = arith.subi %sign3A_153, %sign3A_156 : i32
      %sign3A_158 = arith.constant 0 : i32
      %sign3A_159 = arith.cmpi sgt, %jit3A_149, %sign3A_158 : i32
      %sign3A_160 = arith.extui %sign3A_159 : i1 to i32
      %sign3A_161 = arith.constant 0 : i32
      %sign3A_162 = arith.cmpi slt, %jit3A_149, %sign3A_161 : i32
      %sign3A_163 = arith.extui %sign3A_162 : i1 to i32
      %sign3A_164 = arith.subi %sign3A_160, %sign3A_163 : i32
      %ne3A_165 = arith.cmpi ne, %sign3A_157, %sign3A_164 : i32
      %rem3A_166 = arith.remsi %add3A, %jit3A_149 : i32
      %ne3A_167 = arith.constant 0 : i32
      %ne3A_168 = arith.cmpi ne, %rem3A_166, %ne3A_167 : i32
      %and3A_169 = arith.andi %ne3A_165, %ne3A_168 : i1
      %sub3A_170 = arith.constant 1 : i32
      %sub3A_171 = arith.subi %div3A_150, %sub3A_170 : i32
      %select_n3A_172 = arith.select %and3A_169, %sub3A_171, %div3A_150 : i32
      %jit3A_173 = arith.constant 224 : i32
      %div3A_174 = arith.divsi %sub3A_148, %jit3A_173 : i32
      %sign3A_175 = arith.constant 0 : i32
      %sign3A_176 = arith.cmpi sgt, %sub3A_148, %sign3A_175 : i32
      %sign3A_177 = arith.extui %sign3A_176 : i1 to i32
      %sign3A_178 = arith.constant 0 : i32
      %sign3A_179 = arith.cmpi slt, %sub3A_148, %sign3A_178 : i32
      %sign3A_180 = arith.extui %sign3A_179 : i1 to i32
      %sign3A_181 = arith.subi %sign3A_177, %sign3A_180 : i32
      %sign3A_182 = arith.constant 0 : i32
      %sign3A_183 = arith.cmpi sgt, %jit3A_173, %sign3A_182 : i32
      %sign3A_184 = arith.extui %sign3A_183 : i1 to i32
      %sign3A_185 = arith.constant 0 : i32
      %sign3A_186 = arith.cmpi slt, %jit3A_173, %sign3A_185 : i32
      %sign3A_187 = arith.extui %sign3A_186 : i1 to i32
      %sign3A_188 = arith.subi %sign3A_184, %sign3A_187 : i32
      %ne3A_189 = arith.cmpi ne, %sign3A_181, %sign3A_188 : i32
      %rem3A_190 = arith.remsi %sub3A_148, %jit3A_173 : i32
      %ne3A_191 = arith.constant 0 : i32
      %ne3A_192 = arith.cmpi ne, %rem3A_190, %ne3A_191 : i32
      %and3A_193 = arith.andi %ne3A_189, %ne3A_192 : i1
      %sub3A_194 = arith.constant 1 : i32
      %sub3A_195 = arith.subi %div3A_174, %sub3A_194 : i32
      %select_n3A_196 = arith.select %and3A_193, %sub3A_195, %div3A_174 : i32
      %jit3A_197 = arith.constant 224 : i32
      %eq3A_198 = arith.constant 0 : i32
      %eq3A_199 = arith.cmpi eq, %jit3A_197, %eq3A_198 : i32
      %jit3A_200 = arith.constant 1 : i32
      %select_n3A_201 = arith.select %eq3A_199, %jit3A_200, %jit3A_197 : i32
      %rem3A_202 = arith.remsi %sub3A_148, %select_n3A_201 : i32
      %ne3A_203 = arith.constant 0 : i32
      %ne3A_204 = arith.cmpi ne, %rem3A_202, %ne3A_203 : i32
      %lt3A_205 = arith.constant 0 : i32
      %lt3A_206 = arith.cmpi slt, %rem3A_202, %lt3A_205 : i32
      %lt3A_207 = arith.constant 0 : i32
      %lt3A_208 = arith.cmpi slt, %select_n3A_201, %lt3A_207 : i32
      %ne3A_209 = arith.xori %lt3A_206, %lt3A_208 : i1
      %and3A_210 = arith.andi %ne3A_209, %ne3A_204 : i1
      %add3A_211 = arith.addi %rem3A_202, %select_n3A_201 : i32
      %select_n3A_212 = arith.select %and3A_210, %add3A_211, %rem3A_202 : i32
      "tpu.region"() ({
        %run_scoped3A = tpu.sem_alloc : memref<!tpu.dma_semaphore, #tpu.memory_space<semaphore_mem>>
        %dma_start3A_213 = arith.constant 0 : i32
        %dma_start3A_214 = tpu.memref_slice %arg5[%select_n3A_172, %select_n3A_196, %select_n3A_212, %dma_start3A_213] : memref<8x224x224x96xf32, #tpu.memory_space<hbm>> -> memref<1x1x112x96xf32, #tpu.memory_space<hbm>>
        %dma_start3A_215 = tpu.memref_squeeze %dma_start3A_214 : memref<1x1x112x96xf32, #tpu.memory_space<hbm>> -> memref<112x96xf32, #tpu.memory_space<hbm>>
        %dma_start3A_216 = arith.constant 0 : i32
        %dma_start3A_217 = tpu.memref_slice %arg5[%select_n3A_172, %select_n3A_196, %select_n3A_212, %dma_start3A_216] : memref<8x224x224x96xf32, #tpu.memory_space<hbm>> -> memref<1x1x112x96xf32, #tpu.memory_space<hbm>>
        %dma_start3A_218 = tpu.memref_squeeze %dma_start3A_217 : memref<1x1x112x96xf32, #tpu.memory_space<hbm>> -> memref<112x96xf32, #tpu.memory_space<hbm>>
        tpu.enqueue_dma source(%arg12 : memref<112x96xf32, #tpu.memory_space<vmem>>) target(%dma_start3A_218 : memref<112x96xf32, #tpu.memory_space<hbm>>) target_semaphore(%run_scoped3A : memref<!tpu.dma_semaphore, #tpu.memory_space<semaphore_mem>>)
        %dma_wait3A_219 = arith.constant 0 : i32
        %dma_wait3A_220 = tpu.memref_slice %arg5[%select_n3A_172, %select_n3A_196, %select_n3A_212, %dma_wait3A_219] : memref<8x224x224x96xf32, #tpu.memory_space<hbm>> -> memref<1x1x112x96xf32, #tpu.memory_space<hbm>>
        %dma_wait3A_221 = tpu.memref_squeeze %dma_wait3A_220 : memref<1x1x112x96xf32, #tpu.memory_space<hbm>> -> memref<112x96xf32, #tpu.memory_space<hbm>>
        %dma_wait3A_222 = arith.constant 0 : i32
        %dma_wait3A_223 = tpu.memref_slice %arg5[%select_n3A_172, %select_n3A_196, %select_n3A_212, %dma_wait3A_222] : memref<8x224x224x96xf32, #tpu.memory_space<hbm>> -> memref<1x1x112x96xf32, #tpu.memory_space<hbm>>
        %dma_wait3A_224 = tpu.memref_squeeze %dma_wait3A_223 : memref<1x1x112x96xf32, #tpu.memory_space<hbm>> -> memref<112x96xf32, #tpu.memory_space<hbm>>
        tpu.wait_dma2 semaphore(%run_scoped3A : memref<!tpu.dma_semaphore, #tpu.memory_space<semaphore_mem>>) src(%arg12 : memref<112x96xf32, #tpu.memory_space<vmem>>) dst(%dma_wait3A_224 : memref<112x96xf32, #tpu.memory_space<hbm>>)
        tpu.yield
      }) : () -> ()
    }
    %scan3A_62 = arith.constant 112 : i32
    return
  }
}

</mosaic_0001>

<sc_bundles>
// kernel: kernel.3.cloned.1.call-start
scs
__scs_entry_jumppad:
0x0: {  	(pc) =	sbr.rel $0x88, $3  }
0x1: {  	(tag) =	ssettag $0x0;
	lr =	simm.s32 $0x1  }
0x2: {  	[smem:$0x3F9F] =	sst lr;
	_ =	strace $0xD0000000  }
0x3: {  	_ = 	snop  }
0x4: {  	_ = 	snop  }
0x5: {  	_ = 	snop  }
0x6: {  	_ = 	snop  }
0x7: {  	_ = 	snop  }
__scs_overlays_trampoline_lowered:
0x8: {  	[smem:$0x3FAE] =	sst s0  }
0x9: {  	[smem:$0x3FAF] =	sst s1  }
0xa: {  	[smem:$0x3FB0] =	sst s2  }
0xb: {  	[smem:$0x3FB1] =	sst s3  }
0xc: {  	[smem:$0x3FB2] =	sst s4  }
0xd: {  	[smem:$0x3FB3] =	sst s5  }
0xe: {  	[smem:$0x3FB4] =	sst s6  }
0xf: {  	[smem:$0x3FB5] =	sst s7  }
0x10: {  	[smem:$0x3FB6] =	sst s8  }
0x11: {  	[smem:$0x3FB7] =	sst s9;
	s0 =	simm.s32 @!p0 $0x0  }
0x12: {  	s1 =	sld [smem:$0x3F9D];
	s0 =	simm.s32 @p0 $0x1  }
0x13: {  	[smem:$0x3FB8] =	sst s0;
	s0 =	simm.s32 @!p1 $0x0  }
0x14: {  	s2 =	sld [smem:$0x3F9C];
	s0 =	simm.s32 @p1 $0x1  }
0x15: {  	[smem:$0x3FB9] =	sst s0;
	s0 =	simm.s32 @!p2 $0x0  }
0x16: {  	s3 =	sld [smem:$0x3FDB];
	s0 =	simm.s32 @p2 $0x1  }
0x17: {  	s4 =	simm.s32 $0x1BF5;
	[smem:$0x3FBB] =	sst s0  }
0x18: {  	s0 =	sld [smem:$0x3F9E];
	_ =	swait.ge [sflag:s4], $0x0  }
0x19: {  	s7 =	sld [smem:$0x3F9F]  }
0x1a: {  	s8 =	sadd.s32 $0xFFFFE003, lr  }
0x1b: {  	s9 =	sadd.s32 $0xFFFFFEF7, lr;
	s5 =	simm.s32 $0xFFFFFFFF;
	p2 =	slt.u32 s8, $0xFFFFF086  }
0x1c: {  	p1 =	slt.u32 s9, $0xF7A;
	s5 =	simm.s32 @!p2 $0x0  }
0x1d: {  	s5 =	simm.s32 @p1 $0x1;
	p0 =	seq.s32 s7, s2  }
0x1e: {  	s7 =	smul.u32 @!p0 $0xF7A, s2;
	p2 =	seq.s32 @!p0 s5, $0x0  }
0x1f: {  	s9 =	smul.u32 $0xF7A, s1;
	s8 =	simm.s32 @!p0 $0x1BF5;
	p2 =	por !p2, p0  }
0x20: {  	[sflag:s8] =	ssyncset.s32 @!p0 $0xFFFFF086;
	s6 =	sadd.s32 @!p0 s3, s7;
	s7 =	simm.s32 @!p0 $0x108  }
0x21: {  	s3 =	sadd.s32 s3, s9;
	s6 =	sadd.s32 @!p0 $0x88, s6;
	s7 =	simm.s32 @p2 $0x1082  }
0x22: {  	[simem:s7], [sflag:s8] =	dma.local @!p0 [hbm:s6], $0xF7A  }
0x23: {  	s9 =	sor.u32 $0xD0000000, s2;
	s6 =	simm.s32 $0x108;
	_ =	swait.ge @!p0 [sflag:s8], $0x0  }
0x24: {  	s3 =	sadd.s32 $0x88, s3;
	s6 =	simm.s32 @!p1 $0x1082;
	[sflag:s4] =	ssyncset.s32 $0xFFFFF086  }
0x25: {  	[simem:s6], [sflag:s4] =	dma.local [hbm:s3], $0xF7A  }
0x26: {  	[smem:$0x3F9F] =	sst s1;
	(tag) =	ssettag s2;
	_ =	strace s9  }
0x27: {  	s1 =	sld [smem:$0x3FAF]  }
0x28: {  	s2 =	sld [smem:$0x3FB0]  }
0x29: {  	s4 =	sld [smem:$0x3FB2]  }
0x2a: {  	p0 =	seq.s32 s5, $0x0;
	s5 =	sld [smem:$0x3FB3]  }
0x2b: {  	s6 =	sld [smem:$0x3FB4]  }
0x2c: {  	s7 =	sld [smem:$0x3FB5]  }
0x2d: {  	s3 =	simm.s32 $0x108;
	s8 =	sld [smem:$0x3FB6]  }
0x2e: {  	s3 =	simm.s32 @!p0 $0x1082;
	s9 =	sld [smem:$0x3FB7]  }
0x2f: {  	lr =	sadd.s32 s0, s3;
	s0 =	sld [smem:$0x3FAE]  }
0x30: {  	s3 =	sld [smem:$0x3FB1]  }
0x31: {  	[smem:$0x3FBA] =	sst s10  }
0x32: {  	s10 =	sld [smem:$0x3FB8];
	_ =	sdelay $0x3  }
0x33: {  	p0 =	seq.s32 s10, $0x1;
	s10 =	sld [smem:$0x3FBA];
	_ =	sdelay $0x3  }
0x34: {  	[smem:$0x3FBA] =	sst s10  }
0x35: {  	s10 =	sld [smem:$0x3FB9];
	_ =	sdelay $0x3  }
0x36: {  	p1 =	seq.s32 s10, $0x1;
	s10 =	sld [smem:$0x3FBA];
	_ =	sdelay $0x3  }
0x37: {  	[smem:$0x3FBA] =	sst s10  }
0x38: {  	s10 =	sld [smem:$0x3FBB]  }
0x39: {  	_ = 	snop;
	(pc) =	sbr.ind lr, $3  }
0x3a: {  	_ = 	snop  }
0x3b: {  	_ = 	snop  }
0x3c: {  	p2 =	seq.s32 s10, $0x1;
	s10 =	sld [smem:$0x3FBA]  }
0x3d: {  	_ =	shalt  }
0x3e: {  	_ =	shalt  }
0x3f: {  	_ =	shalt  }
0x40: {  	_ =	shalt  }
0x41: {  	_ =	shalt  }
0x42: {  	_ =	shalt  }
0x43: {  	_ =	shalt  }
0x44: {  	_ =	shalt  }
0x45: {  	_ =	shalt  }
0x46: {  	_ =	shalt  }
0x47: {  	_ =	shalt  }
0x48: {  	_ =	shalt  }
0x49: {  	_ =	shalt  }
0x4a: {  	_ =	shalt  }
0x4b: {  	_ =	shalt  }
0x4c: {  	_ =	shalt  }
0x4d: {  	_ =	shalt  }
0x4e: {  	_ =	shalt  }
0x4f: {  	_ =	shalt  }
0x50: {  	_ =	shalt  }
0x51: {  	_ =	shalt  }
0x52: {  	_ =	shalt  }
0x53: {  	_ =	shalt  }
0x54: {  	_ =	shalt  }
0x55: {  	_ =	shalt  }
0x56: {  	_ =	shalt  }
0x57: {  	_ =	shalt  }
0x58: {  	_ =	shalt  }
0x59: {  	_ =	shalt  }
0x5a: {  	_ =	shalt  }
0x5b: {  	_ =	shalt  }
0x5c: {  	_ =	shalt  }
0x5d: {  	_ =	shalt  }
0x5e: {  	_ =	shalt  }
0x5f: {  	_ =	shalt  }
0x60: {  	_ =	shalt  }
0x61: {  	_ =	shalt  }
0x62: {  	_ =	shalt  }
0x63: {  	_ =	shalt  }
0x64: {  	_ =	shalt  }
0x65: {  	_ =	shalt  }
0x66: {  	_ =	shalt  }
0x67: {  	_ =	shalt  }
0x68: {  	_ =	shalt  }
0x69: {  	_ =	shalt  }
0x6a: {  	_ =	shalt  }
0x6b: {  	_ =	shalt  }
0x6c: {  	_ =	shalt  }
0x6d: {  	_ =	shalt  }
0x6e: {  	_ =	shalt  }
0x6f: {  	_ =	shalt  }
0x70: {  	_ =	shalt  }
0x71: {  	_ =	shalt  }
0x72: {  	_ =	shalt  }
0x73: {  	_ =	shalt  }
0x74: {  	_ =	shalt  }
0x75: {  	_ =	shalt  }
0x76: {  	_ =	shalt  }
0x77: {  	_ =	shalt  }
0x78: {  	_ =	shalt  }
0x79: {  	_ =	shalt  }
0x7a: {  	_ =	shalt  }
0x7b: {  	_ =	shalt  }
0x7c: {  	_ =	shalt  }
0x7d: {  	_ =	shalt  }
0x7e: {  	_ =	shalt  }
0x7f: {  	_ =	shalt  }
0x80: {  	_ =	shalt  }
0x81: {  	_ =	shalt  }
0x82: {  	_ =	shalt  }
0x83: {  	_ =	shalt  }
0x84: {  	_ =	shalt  }
0x85: {  	_ =	shalt  }
0x86: {  	_ =	shalt  }
0x87: {  	_ =	shalt  }
.Lfunc_end0:
.L_simem_size_0:
called_computation.3_lowered:
.L_overlay_start_0:
0x88: {  	s2 =	sld [smem:$0x3FD9]  }
0x89: {  	s3 =	sld [smem:$0x3FFE];
	_ =	sdelay $0x1  }
0x8a: {  	s1 =	srdreg.scid  }
0x8b: {  	s0 =	sand.u32 $0x1, s1  }
0x8c: {  	s17 =	sshll.u32 s0, $0xA;
	s2 =	sadd.s32 s3, s2  }
0x8d: {  	s2 =	sadd.s32 s2, s17  }
0x8e: {  	[smem:$0x3FC6] =	sst s2  }
0x8f: {  	_ = 	snop  }
0x90: {  	s2 =	sld [smem:$0x3FD0];
	(tm) =	ssettm $0x1  }
0x91: {  	s18 =	sld [smem:$0x3FFB];
	_ =	sdelay $0x3  }
0x92: {  	_ =	strace s18  }
0x93: {  	s3 =	sld [smem:$0x3FFC];
	_ =	sdelay $0x3  }
0x94: {  	_ =	strace s3  }
0x95: {  	s3 =	sld [smem:$0x3FFD];
	_ =	sdelay $0x3  }
0x96: {  	_ =	strace s3  }
0x97: {  	_ =	strace $0x8FFFFFFF  }
0x98: {  	s19 =	sld [smem:$0x3FDB];
	_ =	sdelay $0x1  }
0x99: {  	s4 =	simm.s32 $_scs_section_size  }
0x9a: {  	s5 =	simm.s32 $_size__tile_overlayer_lowered;
	s6 =	simm.s32 $_tile_overlayer_lowered  }
0x9b: {  	s22 =	simm.s32 $0x1BFF;
	s21 =	sshll.u32 s6, $0x1;
	s3 =	sadd.s32 s4, s19  }
0x9c: {  	s7 =	simm.s32 $0x0;
	s20 =	sshll.u32 s5, $0x1;
	s5 =	sadd.s32 s21, s3  }
0x9d: {  	[timem:s7], [sflag:s22] =	dma.local [hbm:s5], s20  }
0x9e: {  	_ =	swait.ge [sflag:s22], s20  }
0x9f: {  	s4 =	ssub.s32 $0x0, s20;
	[sflag:s22] =	ssyncset.done $0x0  }
0xa0: {  	[sflag:s22] =	ssyncadd.s32 s4;
	_ =	sdelay $0x1  }
0xa1: {  	s23 =	simm.s32 $0x1B8B  }
0xa2: {  	_ =	swait.ge [sflag:s23], $0x1  }
0xa3: {  	[sflag:s23] =	ssyncset.done $0x0  }
0xa4: {  	s25 =	simm.s32 $0x1B8E;
	s24 =	sld [smem:$0x3FFE];
	[sflag:s23] =	ssyncadd.s32 $0xFFFFFFFF  }
0xa5: {  	s26 =	simm.s32 $execute0_lowered;
	[smem:$0x3FD2] =	sst s25  }
0xa6: {  	s5 =	sshll.u32 s26, $0x1;
	_ =	strace $0x8000004C;
	[dreg:$0x1] =	wrdreg $0xFFFFFFFF  }
0xa7: {  	s28 =	simm.s32 $_size_execute0_lowered;
	s3 =	sadd.s32 s3, s5;
	[dreg:$0x0] =	wrdreg $0x0  }
0xa8: {  	s5 =	sshll.u32 s28, $0x1;
	[dreg:$0x2] =	wrdreg s3  }
0xa9: {  	[dreg:$0x3] =	wrdreg s5  }
0xaa: {  	[dreg:$0x4] =	wrdreg $0xC0  }
0xab: {  	_ =	task [dreg:s7], $0x5FFFF  }
0xac: {  	[dreg:$0x1] =	wrdreg $0xFFFFFFFF  }
0xad: {  	[dreg:$0x0] =	wrdreg $0x60  }
0xae: {  	[dreg:$0x2] =	wrdreg s24  }
0xaf: {  	[dreg:$0x3] =	wrdreg s2  }
0xb0: {  	[dreg:$0x4] =	wrdreg $0x9  }
0xb1: {  	_ =	task.clear_ibuf [dreg:s7], $0x5FFFF;
	_ =	strace $0x9000004C  }
0xb2: {  	s29 =	simm.s32 $0x9;
	_ =	strace $0x8000004E  }
0xb3: {  	_ =	swait.ge [sflag:s29], $0x1  }
0xb4: {  	[sflag:s29] =	ssyncadd.s32 $0xFFFFFFFF  }
0xb5: {  	_ =	strace $0x9000004E  }
0xb6: {  	_ =	sfence  }
0xb7: {  	s30 =	sld [smem:$0x0];
	_ =	sdelay $0x2  }
0xb8: {  	s31 =	sshll.u32 s1, $0xD;
	s1 =	sshrl.u32 s1, $0x2  }
0xb9: {  	s3 =	sand.u32 $0x4000, s31;
	s1 =	sadd.s32 s1, s30  }
0xba: {  	s0 =	sor.u32 s3, s0;
	s1 =	sshll.u32 s1, $0x11  }
0xbb: {  	s0 =	sor.u32 s1, s0  }
0xbc: {  	s0 =	sadd.s32 $0x8F2B, s0  }
0xbd: {  	[sflag:s0] =	ssyncadd.remote.s32 $0x1  }
0xbe: {  	_ =	sfence.sel $0xFFFF  }
0xbf: {  	[dreg:$0x0] =	wrdreg $0xFFFFFFFF;
	(pc) =	sbr.abs _section_cstart, $3  }
0xc0: {  	[dreg:$0x1] =	wrdreg $0xFFFFFFFF  }
0xc1: {  	_ =	task.clear_ibuf [dreg:s7], $0x2FFFF;
	_ =	strace $0x9FFFFFFF  }
0xc2: {  	(tm) =	ssettm $0x7FFFFFFF  }
0xc3: {  	_ =	shalt  }
tec
execute0_lowered:
.L_overlay_start_1:
0x0: {  	(tag) =	ssettag $0x1  }
0x1: {  	s0 =	rddreg [dreg:$0x0]  }
0x2: {  	s1 =	srdreg.scid;
	s7 =	stileid.u32  }
0x3: {  	s2 =	rddreg [dreg:$0x1];
	s3 =	simm.s32 $0x0;
	v0 =	vlaneseq.u32;
	s11 =	simm.s32 $0x3  }
0x4: {  	s17 =	simm.s32 $0x10FC0;
	s1 =	sand.u32 $0x1, s1;
	s4 =	sshll.u32 s7, $0x1;
	v0 =	vmul.u32 $0x2, v0  }
0x5: {  	s18 =	simm.s32 $0x70;
	s19 =	simm.s32 $0x0;
	s4 =	sor.u32 s1, s4  }
0x6: {  	[smem:$0x7FF] =	sst s3;
	s5 =	sadd.s32 $0x751E00, s0;
	s4 =	smul.u32 $0x3100, s4;
	v4 =	vor.u32 $0x20, v0  }
0x7: {  	s9 =	sshrl.u32 s7, $0x1;
	_ =	strace $0x8000004D;
	s1 =	ssub.s32 $0x2, s1;
	v5 =	vor.u32 $0x21, v0  }
0x8: {  	s7 =	smul.u32 $0xC400, s9;
	s31 =	sshrl.u32 s1, $0x1;
	s6 =	sshrl.u32 s4, $0x3  }
0x9: {  	v2 =	vimm.f32 $0.0e+00;
	s9 =	smul.u32 $0x498000, s9;
	v3 =	vor.u32 $0x1, v0;
	s1 =	ssub.s32 s1, s31;
	s0 =	sadd.s32 s6, s0  }
0xa: {  	v6 =	vor.u32 $0x40, v0;
	v7 =	vor.u32 $0x41, v0;
	v1 =	vmov s7;
	s10 =	smax.u32 s1, $0x1;
	s6 =	sadd.s32 $0xDA00, s0;
	s8 =	sadd.s32 $0x1600, s0  }
.LBB2_1:
0xb: {  	[tilespmem:s3], [sflag:$0x3] =	stream.linear.gather [hbm4b:s6+s3], $0x3100, $0x38;
	[tilespmem:$0x139C0] =	vst v63  }
0xc: {  	_ =	swait.ge [sflag:s11], $0x3100  }
0xd: {  	[sflag:s11] =	ssyncset.done $0x0  }
0xe: {  	s0 =	simm.s32 $0x3100;
	[sflag:s11] =	ssyncadd.s32 $0xFFFFCF00  }
0xf: {  	[tilespmem:s0], [sflag:$0x3] =	stream.linear.gather [hbm4b:s8+s3], $0x3100, $0x38;
	[tilespmem:$0x139C0] =	vst v63  }
0x10: {  	_ =	swait.ge [sflag:s11], $0x3100  }
0x11: {  	[sflag:s11] =	ssyncset.done $0x0  }
0x12: {  	s21 =	simm.s32 $0x0;
	[sflag:s11] =	ssyncadd.s32 $0xFFFFCF00  }
0x13: {  	v8 =	vld [tilespmem:s21+$0x0]  }
0x14: {  	v9 =	vld [tilespmem:s21+$0x3100];
	_ =	sdelay $0x3  }
0x15: {  	v8 =	vadd.f32 $1.000000000e+00, v8  }
0x16: {  	v9 =	vadd.f32 $1.000000000e+00, v9  }
0x17: {  	v8 =	vmul.f32 $5.000000000e-01, v8  }
0x18: {  	v9 =	vmul.f32 $5.000000000e-01, v9  }
0x19: {  	v8 =	vmul.f32 $2.240000000e+02, v8  }
0x1a: {  	v11 =	vmul.f32 $2.240000000e+02, v9  }
0x1b: {  	s20 =	simm.s32 $0x10;
	v10 =	vtrunc.f32 v8  }
0x1c: {  	v12 =	vtrunc.f32 v11;
	v9 =	vcvt.f32.s32 v10;
	v10 =	vld [tilespmem:s20+$0x0]  }
0x1d: {  	v12 =	vcvt.f32.s32 v12  }
0x1e: {  	v13 =	vadd.s32 $0x1, v9  }
0x1f: {  	vm13 =	vgt.s32 v12, $0x0;
	vm0 =	vgt.s32 v13, $0x0  }
0x20: {  	v14 =	vadd.s32 $0x1, v12;
	vm1 =	vgt.s32 v9, $0x0;
	v13 =	vnsel vm0, $0x0, v13  }
0x21: {  	v15 =	vld [tilespmem:s20+$0x3100];
	v12 =	vnsel vm13, $0x0, v12;
	v13 =	vmin.u32 v13, $0xDF;
	v10 =	vadd.f32 $1.000000000e+00, v10  }
0x22: {  	v9 =	vnsel vm1, $0x0, v9;
	v17 =	vmin.u32 v12, $0xDF;
	v16 =	vcvt.s32.f32 v13  }
0x23: {  	v18 =	vmin.u32 v9, $0xDF;
	vm14 =	vlt.u32 v9, v13;
	v9 =	vmul.f32 $5.000000000e-01, v10  }
0x24: {  	vm15 =	vgt.s32 v14, $0x0;
	v13 =	vcvt.s32.f32 v17;
	v12 =	vsub.f32 v16, v8  }
0x25: {  	v14 =	vnsel vm15, $0x0, v14;
	v16 =	vsel vm14, $0x3F800000, v2;
	v10 =	vmul.f32 $2.240000000e+02, v9  }
0x26: {  	v19 =	vmul.f32 v16, v12;
	v12 =	vsub.f32 v11, v13;
	v13 =	vadd.f32 $1.000000000e+00, v15  }
0x27: {  	v20 =	vmin.u32 v14, $0xDF;
	v15 =	vcvt.s32.f32 v18;
	v14 =	vtrunc.f32 v10  }
0x28: {  	v9 =	vmul.f32 $5.000000000e-01, v13;
	v13 =	vcvt.s32.f32 v20  }
0x29: {  	v21 =	vmul.f32 v19, v12;
	v15 =	vsub.f32 v8, v15;
	v8 =	vmul.u32 $0xE0, v17  }
0x2a: {  	v14 =	vcvt.f32.s32 v14;
	v9 =	vmul.f32 $2.240000000e+02, v9;
	v17 =	vsub.f32 v13, v11  }
0x2b: {  	s0 =	simm.s32 $0x20;
	v13 =	vmul.u32 $0xE0, v20;
	[tilespmem:s21+$0x6440] =	vst v21;
	v16 =	vmul.f32 v16, v15;
	v11 =	vor.u32 v1, v18  }
0x2c: {  	s1 =	simm.s32 $0xC0;
	v18 =	vadd.s32 $0x1, v14;
	v15 =	vld [tilespmem:s0+$0x0];
	v20 =	vtrunc.f32 v9;
	v19 =	vmul.f32 v17, v19  }
.LBB2_2:
0x2d: {  	p0 =	sne.s32 s1, $0x180;
	v20 =	vcvt.f32.s32 v20;
	vm0 =	vgt.s32 v18, $0x0;
	v17 =	vmul.f32 v17, v16;
	s22 =	smov.u32 s0  }
0x2e: {  	v13 =	vadd.s32 v13, v11;
	v12 =	vmul.f32 v16, v12;
	v18 =	vnsel vm0, $0x0, v18;
	[tilespmem:s21+$0x63C0] =	vst v19  }
0x2f: {  	v16 =	vmin.u32 v18, $0xDF;
	vm0 =	vgt.s32 v20, $0x0;
	v18 =	vadd.s32 $0x1, v20;
	[tilespmem:s21+$0x64C0] =	vst v17  }
0x30: {  	vm1 =	vgt.s32 v14, $0x0;
	v17 =	vld [tilespmem:s22+$0x3100];
	v19 =	vnsel vm0, $0x0, v20;
	v20 =	vcvt.s32.f32 v16;
	[tilespmem:s21+$0x6540] =	vst v12  }
0x31: {  	v14 =	vnsel vm1, $0x0, v14;
	v12 =	vadd.f32 $1.000000000e+00, v15;
	v15 =	vmin.u32 v19, $0xDF;
	[tilespmem:s21+$0x62E0] =	vst v13  }
0x32: {  	vm0 =	vlt.u32 v14, v16;
	v13 =	vsub.f32 v20, v10;
	v16 =	vcvt.s32.f32 v15  }
0x33: {  	vm1 =	vgt.s32 v18, $0x0;
	v19 =	vmin.u32 v14, $0xDF;
	v20 =	vsel vm0, $0x3F800000, v2  }
0x34: {  	v14 =	vmul.f32 $5.000000000e-01, v12;
	v21 =	vmul.f32 v20, v13;
	v12 =	vsub.f32 v9, v16  }
0x35: {  	v16 =	vnsel vm1, $0x0, v18;
	v13 =	vadd.f32 $1.000000000e+00, v17;
	v17 =	vcvt.s32.f32 v19  }
0x36: {  	v14 =	vmul.f32 $2.240000000e+02, v14;
	v16 =	vmin.u32 v16, $0xDF;
	v18 =	vmul.f32 v21, v12  }
.Ltmp0:
0x37: {  	v22 =	vmul.f32 $5.000000000e-01, v13;
	v23 =	vsub.f32 v10, v17;
	v17 =	vcvt.s32.f32 v16;
	(pc) =	sbr.rel @p0 .LBB2_2-.Ltmp0, $4  }
0x38: {  	v15 =	vmul.u32 $0xE0, v15;
	v24 =	vtrunc.f32 v14;
	v13 =	vmul.u32 $0xE0, v16;
	v10 =	vmovc v14;
	[tilespmem:s20+$0x6440] =	vst v18  }
0x39: {  	v14 =	vcvt.f32.s32 v24;
	v17 =	vsub.f32 v17, v9;
	v9 =	vmul.f32 $2.240000000e+02, v22  }
0x3a: {  	s0 =	sshra.s32 s1, $0x2;
	v16 =	vmul.f32 v20, v23;
	v22 =	vadd.s32 v8, v11;
	v11 =	vor.u32 v1, v19;
	v8 =	vmovc v15  }
0x3b: {  	s1 =	sadd.s32 $0x40, s1;
	v18 =	vadd.s32 $0x1, v14;
	v15 =	vld [tilespmem:s0+$0x0];
	v20 =	vtrunc.f32 v9;
	v19 =	vmul.f32 v17, v21;
	[tilespmem:s21+$0x6200] =	vst v22;
	s21 =	smov.u32 s20;
	s20 =	smov.u32 s22  }
0x3c: {  	v17 =	vmul.f32 v17, v16;
	v20 =	vcvt.f32.s32 v20  }
0x3d: {  	vm0 =	vgt.s32 v18, $0x0;
	v12 =	vmul.f32 v16, v12;
	vm1 =	vgt.s32 v14, $0x0;
	[tilespmem:s21+$0x63C0] =	vst v19  }
0x3e: {  	v13 =	vadd.s32 v13, v11;
	v18 =	vnsel vm0, $0x0, v18;
	v14 =	vnsel vm1, $0x0, v14;
	[tilespmem:s21+$0x64C0] =	vst v17  }
0x3f: {  	v32 =	vmin.u32 v18, $0xDF;
	vm8 =	vgt.s32 v20, $0x0;
	v33 =	vadd.s32 $0x1, v20;
	v34 =	vld [tilespmem:s0+$0x3100]  }
0x40: {  	v35 =	vnsel vm8, $0x0, v20;
	v36 =	vcvt.s32.f32 v32;
	vm9 =	vlt.u32 v14, v32  }
0x41: {  	v14 =	vmin.u32 v14, $0xDF;
	vm10 =	vgt.s32 v33, $0x0;
	v15 =	vadd.f32 $1.000000000e+00, v15  }
0x42: {  	v19 =	vmin.u32 v35, $0xDF;
	v21 =	vsel vm9, $0x3F800000, v2;
	v17 =	vnsel vm10, $0x0, v33  }
0x43: {  	v22 =	vcvt.s32.f32 v14;
	v37 =	vsub.f32 v36, v10;
	v15 =	vmul.f32 $5.000000000e-01, v15  }
0x44: {  	v38 =	vcvt.s32.f32 v19;
	v17 =	vmin.u32 v17, $0xDF;
	v18 =	vadd.f32 $1.000000000e+00, v34  }
0x45: {  	v39 =	vsub.f32 v10, v22;
	v40 =	vcvt.s32.f32 v17;
	v15 =	vmul.f32 $2.240000000e+02, v15  }
0x46: {  	v16 =	vmul.f32 v21, v37;
	v20 =	vsub.f32 v9, v38;
	v18 =	vmul.f32 $5.000000000e-01, v18  }
0x47: {  	v41 =	vsub.f32 v40, v9;
	v10 =	vmul.f32 v21, v39;
	v23 =	vtrunc.f32 v15  }
0x48: {  	v8 =	vadd.s32 v8, v11;
	v23 =	vcvt.f32.s32 v23;
	v18 =	vmul.f32 $2.240000000e+02, v18  }
0x49: {  	v48 =	vmul.u32 $0xE0, v17;
	v24 =	vmul.f32 v16, v20;
	v16 =	vmul.f32 v41, v16  }
0x4a: {  	v9 =	vmul.f32 v41, v10;
	v43 =	vadd.s32 $0x1, v23;
	v42 =	vtrunc.f32 v18  }
0x4b: {  	vm13 =	vgt.s32 v23, $0x0;
	vm11 =	vgt.s32 v43, $0x0;
	v11 =	vcvt.f32.s32 v42  }
0x4c: {  	v10 =	vmul.f32 v10, v20;
	v46 =	vnsel vm13, $0x0, v23;
	v21 =	vnsel vm11, $0x0, v43  }
0x4d: {  	v52 =	vmin.u32 v46, $0xDF;
	v44 =	vmin.u32 v21, $0xDF;
	vm12 =	vgt.s32 v11, $0x0  }
0x4e: {  	[tilespmem:s21+$0x6540] =	vst v12;
	v47 =	vcvt.s32.f32 v44;
	v45 =	vnsel vm12, $0x0, v11;
	v11 =	vadd.s32 $0x1, v11  }
0x4f: {  	[tilespmem:s21+$0x62E0] =	vst v13;
	vm14 =	vlt.u32 v46, v44;
	v49 =	vmin.u32 v45, $0xDF;
	vm15 =	vgt.s32 v11, $0x0  }
0x50: {  	[tilespmem:s20+$0x6440] =	vst v24;
	v50 =	vsub.f32 v47, v15;
	v11 =	vnsel vm15, $0x0, v11;
	v51 =	vcvt.s32.f32 v49  }
0x51: {  	[tilespmem:s21+$0x6200] =	vst v8;
	v22 =	vcvt.s32.f32 v52;
	v8 =	vsel vm14, $0x3F800000, v2;
	v11 =	vmin.u32 v11, $0xDF  }
0x52: {  	[tilespmem:s20+$0x63C0] =	vst v16;
	v13 =	vmul.f32 v8, v50;
	v53 =	vsub.f32 v18, v51;
	v54 =	vcvt.s32.f32 v11  }
0x53: {  	v14 =	vor.u32 v1, v14;
	v19 =	vmul.u32 $0xE0, v19;
	[tilespmem:s20+$0x64C0] =	vst v9;
	v55 =	vsub.f32 v15, v22  }
0x54: {  	v12 =	vadd.s32 v48, v14;
	[tilespmem:s20+$0x6540] =	vst v10;
	v56 =	vmul.f32 v13, v53;
	v57 =	vsub.f32 v54, v18  }
0x55: {  	[tilespmem:s20+$0x62E0] =	vst v12;
	v8 =	vmul.f32 v8, v55  }
0x56: {  	v58 =	vadd.s32 v19, v14;
	[tilespmem:s0+$0x6440] =	vst v56;
	v59 =	vmul.f32 v57, v13  }
0x57: {  	v60 =	vmul.f32 v57, v8;
	[tilespmem:s20+$0x6200] =	vst v58  }
0x58: {  	v11 =	vmul.u32 $0xE0, v11;
	v8 =	vmul.f32 v8, v53;
	[tilespmem:s0+$0x63C0] =	vst v59  }
0x59: {  	v62 =	vor.u32 v1, v52;
	v61 =	vmul.u32 $0xE0, v49;
	[tilespmem:s0+$0x64C0] =	vst v60  }
0x5a: {  	v63 =	vadd.s32 v11, v62;
	[tilespmem:s0+$0x6540] =	vst v8  }
0x5b: {  	s29 =	simm.s32 $0x6200;
	s1 =	simm.s32 $0x67C0;
	s30 =	simm.s32 $0x62E0;
	[tilespmem:s0+$0x62E0] =	vst v63;
	v8 =	vadd.s32 v61, v62  }
0x5c: {  	s31 =	simm.s32 $0x91C0;
	s22 =	simm.s32 $0x0;
	s20 =	simm.s32 $0x70;
	[tilespmem:s0+$0x6200] =	vst v8  }
0x5d: {  	[tilespmem:s1], [sflag:$0x1] =	stream.indirect.gather [hbm4b:s5+s20], $0x60, s29, s20, $0xb8;
	[tilespmem:$0x139C0] =	vst v63  }
0x5e: {  	p0 =	por $0x1, $0x1;
	p1 =	por $0x0, $0x0;
	s21 =	simm.s32 $0x3170  }
0x5f: {  	[tilespmem:s31], [sflag:$0x1] =	stream.indirect.gather [hbm4b:s5+s20], $0x60, s30, s20, $0xb8;
	[tilespmem:$0x139C0] =	vst v63  }
.LBB2_4:
0x60: {  	p2 =	seq.s32 s22, $0x6F  }
.Ltmp1:
0x61: {  	_ = 	snop;
	(pc) =	sbr.rel @p2 .LBB2_8-.Ltmp1, $2  }
0x62: {  	_ =	sdelay $0x2  }
0x63: {  	s23 =	sand.u32 $0x1, s22  }
0x64: {  	v8 =	vmov s20;
	_ =	sdelay $0x1  }
0x65: {  	v9 =	vmov s21;
	_ =	sdelay $0x1  }
0x66: {  	s0 =	simm.s32 $0x0  }
0x67: {  	v10 =	vld.idx.msk [tilespmem:v8+s0+$0x0 ss:$0x1], $0xffff;
	_ =	sdelay $0x1  }
0x68: {  	v11 =	vld.idx.msk [tilespmem:v9+s0+$0x0 ss:$0x1], $0xffff;
	_ =	sdelay $0x2  }
0x69: {  	v10 =	vadd.f32 $1.000000000e+00, v10;
	_ =	sdelay $0x1  }
0x6a: {  	s1 =	simm.s32 $0x1;
	v11 =	vadd.f32 $1.000000000e+00, v11;
	v10 =	vmul.f32 $5.000000000e-01, v10  }
0x6b: {  	s1 =	simm.s32 @!p0 $0x0  }
0x6c: {  	s24 =	smul.u32 $0x1C0, s1;
	v13 =	vmul.f32 $2.240000000e+02, v10;
	v10 =	vmul.f32 $5.000000000e-01, v11;
	_ =	sdelay $0x1  }
0x6d: {  	s24 =	sshrl.u32 s24, $0x2;
	v14 =	vmul.f32 $2.240000000e+02, v10;
	v10 =	vtrunc.f32 v13  }
0x6e: {  	s25 =	sor.u32 $0x6200, s24;
	s24 =	sadd.s32 $0x62E0, s24;
	v15 =	vcvt.f32.s32 v10  }
0x6f: {  	s1 =	sshll.u32 s1, $0x9;
	v12 =	vmov s24;
	v11 =	vtrunc.f32 v14  }
0x70: {  	s1 =	sadd.s32 $0x63C0, s1;
	v10 =	vmov s25;
	v16 =	vcvt.f32.s32 v11;
	vm0 =	vgt.s32 v15, $0x0  }
0x71: {  	v11 =	vmov s1;
	v17 =	vadd.s32 $0x1, v15;
	v15 =	vnsel vm0, $0x0, v15  }
0x72: {  	vm13 =	vgt.s32 v17, $0x0;
	v18 =	vmin.u32 v15, $0xDF;
	v19 =	vadd.s32 $0x1, v16  }
0x73: {  	v17 =	vnsel vm13, $0x0, v17;
	vm14 =	vgt.s32 v16, $0x0;
	vm1 =	vgt.s32 v19, $0x0  }
0x74: {  	v17 =	vmin.u32 v17, $0xDF;
	v16 =	vnsel vm14, $0x0, v16;
	v21 =	vcvt.s32.f32 v18  }
0x75: {  	v19 =	vnsel vm1, $0x0, v19;
	v20 =	vcvt.s32.f32 v17;
	v16 =	vmin.u32 v16, $0xDF  }
0x76: {  	vm15 =	vlt.u32 v15, v17;
	v17 =	vor.u32 v1, v18;
	v19 =	vmin.u32 v19, $0xDF  }
0x77: {  	v62 =	vsel vm15, $0x3F800000, v2;
	v15 =	vcvt.s32.f32 v19;
	v20 =	vsub.f32 v20, v13  }
0x78: {  	v22 =	vcvt.s32.f32 v16;
	v16 =	vmul.u32 $0xE0, v16;
	v13 =	vsub.f32 v13, v21  }
0x79: {  	v19 =	vmul.u32 $0xE0, v19;
	v15 =	vsub.f32 v15, v14;
	v20 =	vmul.f32 v62, v20  }
0x7a: {  	v63 =	vsub.f32 v14, v22;
	v18 =	vmul.f32 v62, v13;
	v13 =	vadd.s32 v16, v17  }
0x7b: {  	[tilespmem:v10+s0+$0x0 ss:$0x1] =	vst.idx.msk $0xffff, v13;
	v13 =	vadd.s32 v19, v17;
	v16 =	vmul.f32 v15, v20  }
0x7c: {  	s1 =	sxor.u32 $0x1, s23;
	[tilespmem:v12+s0+$0x0 ss:$0x1] =	vst.idx.msk $0xffff, v13;
	v14 =	vmul.f32 v20, v63  }
0x7d: {  	s25 =	simm.s32 $0x40;
	s24 =	smul.u32 $0x70, s1;
	v13 =	vmul.f32 v15, v18;
	v15 =	vmul.f32 v18, v63;
	[tilespmem:v11+s0+$0x0 ss:$0x1] =	vst.idx.msk $0xffff, v16  }
.LBB2_6:
0x7e: {  	p2 =	sne.s32 s25, $0x180;
	[tilespmem:v11+s0+$0x80 ss:$0x1] =	vst.idx.msk $0xffff, v14;
	s26 =	smov.u32 s25;
	s25 =	sadd.s32 $0x40, s25  }
0x7f: {  	[tilespmem:v11+s0+$0x100 ss:$0x1] =	vst.idx.msk $0xffff, v13  }
0x80: {  	[tilespmem:v11+s0+$0x180 ss:$0x1] =	vst.idx.msk $0xffff, v15;
	s0 =	sshra.s32 s26, $0x2  }
0x81: {  	v13 =	vld.idx.msk [tilespmem:v8+s0+$0x0 ss:$0x1], $0xffff;
	_ =	sdelay $0x1  }
0x82: {  	v14 =	vld.idx.msk [tilespmem:v9+s0+$0x0 ss:$0x1], $0xffff;
	_ =	sdelay $0x3  }
0x83: {  	v13 =	vadd.f32 $1.000000000e+00, v13;
	_ =	sdelay $0x1  }
0x84: {  	v13 =	vmul.f32 $5.000000000e-01, v13;
	v14 =	vadd.f32 $1.000000000e+00, v14;
	_ =	sdelay $0x1  }
0x85: {  	v13 =	vmul.f32 $2.240000000e+02, v13;
	v14 =	vmul.f32 $5.000000000e-01, v14;
	_ =	sdelay $0x1  }
0x86: {  	v14 =	vmul.f32 $2.240000000e+02, v14;
	v15 =	vtrunc.f32 v13  }
0x87: {  	v15 =	vcvt.f32.s32 v15  }
0x88: {  	v16 =	vtrunc.f32 v14  }
0x89: {  	v16 =	vcvt.f32.s32 v16;
	vm0 =	vgt.s32 v15, $0x0;
	v17 =	vadd.s32 $0x1, v15  }
0x8a: {  	v15 =	vnsel vm0, $0x0, v15;
	vm0 =	vgt.s32 v17, $0x0  }
0x8b: {  	v18 =	vmin.u32 v15, $0xDF;
	v17 =	vnsel vm0, $0x0, v17;
	v19 =	vadd.s32 $0x1, v16  }
0x8c: {  	vm0 =	vgt.s32 v16, $0x0;
	v17 =	vmin.u32 v17, $0xDF;
	vm1 =	vgt.s32 v19, $0x0  }
0x8d: {  	v16 =	vnsel vm0, $0x0, v16;
	v19 =	vnsel vm1, $0x0, v19;
	v20 =	vcvt.s32.f32 v17  }
0x8e: {  	v21 =	vcvt.s32.f32 v18;
	v16 =	vmin.u32 v16, $0xDF;
	v19 =	vmin.u32 v19, $0xDF  }
0x8f: {  	vm0 =	vlt.u32 v15, v17;
	v17 =	vor.u32 v1, v18;
	v15 =	vcvt.s32.f32 v19  }
0x90: {  	v18 =	vsel vm0, $0x3F800000, v2;
	v22 =	vcvt.s32.f32 v16;
	v20 =	vsub.f32 v20, v13  }
0x91: {  	v16 =	vmul.u32 $0xE0, v16;
	v13 =	vsub.f32 v13, v21;
	v15 =	vsub.f32 v15, v14  }
.Ltmp2:
0x92: {  	v21 =	vsub.f32 v14, v22;
	v20 =	vmul.f32 v18, v20;
	v14 =	vmul.u32 $0xE0, v19;
	(pc) =	sbr.rel @p2 .LBB2_6-.Ltmp2, $4  }
0x93: {  	v18 =	vmul.f32 v18, v13;
	v13 =	vadd.s32 v16, v17  }
0x94: {  	v16 =	vmul.f32 v15, v20;
	[tilespmem:v10+s0+$0x0 ss:$0x1] =	vst.idx.msk $0xffff, v13;
	v13 =	vadd.s32 v14, v17  }
0x95: {  	v14 =	vmul.f32 v20, v21;
	[tilespmem:v12+s0+$0x0 ss:$0x1] =	vst.idx.msk $0xffff, v13;
	v13 =	vmul.f32 v15, v18  }
0x96: {  	v15 =	vmul.f32 v18, v21;
	[tilespmem:v11+s0+$0x0 ss:$0x1] =	vst.idx.msk $0xffff, v16  }
0x97: {  	_ =	sdelay $0x2  }
0x98: {  	s25 =	smul.u32 $0x15000, s1  }
0x99: {  	[tilespmem:v11+s0+$0x80 ss:$0x1] =	vst.idx.msk $0xffff, v14  }
0x9a: {  	[tilespmem:v11+s0+$0x100 ss:$0x1] =	vst.idx.msk $0xffff, v13;
	s25 =	sshrl.u32 s25, $0x2  }
0x9b: {  	s26 =	sor.u32 $0x6200, s24;
	s29 =	sadd.s32 $0x1, s1;
	[tilespmem:v11+s0+$0x180 ss:$0x1] =	vst.idx.msk $0xffff, v15;
	s28 =	sadd.s32 $0x67C0, s25  }
0x9c: {  	[tilespmem:s28], [sflag:s29] =	stream.indirect.gather [hbm4b:s5+s18], $0x60, s26, s18, $0xb8;
	[tilespmem:$0x139C0] =	vst v63  }
0x9d: {  	s31 =	sadd.s32 $0x62E0, s24;
	s30 =	sadd.s32 $0x91C0, s25  }
0x9e: {  	[tilespmem:s30], [sflag:s29] =	stream.indirect.gather [hbm4b:s5+s18], $0x60, s31, s18, $0xb8;
	[tilespmem:$0x139C0] =	vst v63  }
.LBB2_8:
0x9f: {  	s1 =	sadd.s32 $0x1, s23  }
0xa0: {  	s0 =	simm.s32 $0x1;
	_ =	swait.ge [sflag:s1], $0x2A00  }
0xa1: {  	s12 =	sshll.u32 s23, $0x9;
	s25 =	simm.s32 $0x0;
	[sflag:s1] =	ssyncset.done $0x0  }
0xa2: {  	s0 =	simm.s32 @!p1 $0x0;
	s24 =	sadd.s32 $0x63C0, s12;
	[sflag:s1] =	ssyncadd.s32 $0xFFFFD600  }
0xa3: {  	s31 =	sand.u32 $0x78, s25;
	s0 =	smul.u32 $0x15000, s0;
	_ =	swait.ge [sflag:s1], $0x2A00  }
0xa4: {  	s25 =	sand.u32 $0x7, s25;
	s26 =	sadd.s32 s31, s24;
	[sflag:s1] =	ssyncset.done $0x0  }
0xa5: {  	s13 =	sadd.s32 s25, s26;
	s0 =	sshrl.u32 s0, $0x2;
	[sflag:s1] =	ssyncadd.s32 $0xFFFFD600  }
0xa6: {  	s28 =	sor.u32 $0x6440, s12;
	s26 =	sadd.s32 $0x9210, s0;
	v10 =	vld.msk [tilespmem:s13+$0x0 ss:$0x0], $0xffff  }
0xa7: {  	s14 =	sadd.s32 s31, s28;
	v12 =	vld [tilespmem:s26+$0xFFFFFFB0]  }
0xa8: {  	s29 =	sor.u32 $0x64C0, s12;
	s0 =	sadd.s32 s25, s14;
	v13 =	vld [tilespmem:s26+$0xFFFFD5B0]  }
0xa9: {  	s15 =	sadd.s32 s31, s29;
	v11 =	vld.msk [tilespmem:s0+$0x0 ss:$0x0], $0xffff  }
0xaa: {  	s30 =	sor.u32 $0x6540, s12;
	s16 =	sadd.s32 s25, s15;
	v14 =	vld [tilespmem:s26+$0xFFFFD5E0]  }
0xab: {  	s23 =	sadd.s32 s31, s30;
	v9 =	vld.msk [tilespmem:s16+$0x0 ss:$0x0], $0xffff  }
0xac: {  	s25 =	sadd.s32 s25, s23;
	v15 =	vld [tilespmem:s26+$0xFFFFFFE0]  }
0xad: {  	v8 =	vld.msk [tilespmem:s25+$0x0 ss:$0x0], $0xffff;
	v16 =	vunpack.i.u.bf16.f32 v12;
	v17 =	vunpack.i.l.bf16.f32 v13;
	v12 =	vunpack.i.l.bf16.f32 v12  }
0xae: {  	v13 =	vunpack.i.u.bf16.f32 v13;
	v17 =	vmul.f32 v17, v10;
	v12 =	vmul.f32 v12, v11  }
0xaf: {  	v18 =	vunpack.i.l.bf16.f32 v14;
	v13 =	vmul.f32 v13, v10;
	v16 =	vmul.f32 v16, v11  }
0xb0: {  	v14 =	vunpack.i.u.bf16.f32 v14;
	v57 =	vmul.f32 v18, v9;
	v12 =	vadd.f32 v12, v17  }
0xb1: {  	v58 =	vunpack.i.l.bf16.f32 v15;
	v14 =	vmul.f32 v14, v9;
	v13 =	vadd.f32 v16, v13  }
0xb2: {  	v15 =	vunpack.i.u.bf16.f32 v15;
	v59 =	vmul.f32 v58, v8;
	v12 =	vadd.f32 v12, v57  }
0xb3: {  	v13 =	vadd.f32 v13, v14;
	v14 =	vmul.f32 v15, v8  }
0xb4: {  	v12 =	vadd.f32 v59, v12  }
0xb5: {  	s23 =	simm.s32 $0x10FC0;
	v13 =	vadd.f32 v14, v13  }
0xb6: {  	[tilespmem:v0+s23+$0x0] =	vst.idx.msk $0xffff, v12  }
0xb7: {  	[tilespmem:v3+s23+$0x0] =	vst.idx.msk $0xffff, v13  }
0xb8: {  	v12 =	vld [tilespmem:s26+$0xFFFFD5C0]  }
0xb9: {  	v13 =	vld [tilespmem:s26+$0xFFFFFFC0];
	_ =	sdelay $0x1  }
0xba: {  	v14 =	vld [tilespmem:s26+$0xFFFFD5F0];
	_ =	sdelay $0x1  }
0xbb: {  	v60 =	vld [tilespmem:s26+$0xFFFFFFF0]  }
0xbc: {  	v15 =	vunpack.i.u.bf16.f32 v12;
	v12 =	vunpack.i.l.bf16.f32 v12;
	v61 =	vunpack.i.l.bf16.f32 v13  }
0xbd: {  	v13 =	vunpack.i.u.bf16.f32 v13;
	v12 =	vmul.f32 v12, v10;
	v17 =	vmul.f32 v61, v11  }
0xbe: {  	v62 =	vunpack.i.l.bf16.f32 v14;
	v13 =	vmul.f32 v13, v11;
	v15 =	vmul.f32 v15, v10  }
0xbf: {  	v14 =	vunpack.i.u.bf16.f32 v14;
	v63 =	vmul.f32 v62, v9;
	v12 =	vadd.f32 v17, v12  }
0xc0: {  	v14 =	vmul.f32 v14, v9;
	v13 =	vadd.f32 v13, v15;
	v15 =	vunpack.i.l.bf16.f32 v60  }
0xc1: {  	v16 =	vunpack.i.u.bf16.f32 v60;
	v15 =	vmul.f32 v15, v8;
	v12 =	vadd.f32 v12, v63  }
0xc2: {  	v16 =	vmul.f32 v16, v8;
	v14 =	vadd.f32 v13, v14  }
0xc3: {  	s1 =	simm.s32 $0x1;
	v13 =	vadd.f32 v15, v12  }
0xc4: {  	s31 =	smov.u32 s26;
	s25 =	sadd.s32 $0x1, s22;
	s0 =	simm.s32 $0x10FC0;
	v12 =	vadd.f32 v16, v14  }
.LBB2_9:
0xc5: {  	p2 =	sne.s32 s1, $0x6F;
	[tilespmem:v4+s23+$0x0] =	vst.idx.msk $0xffff, v13;
	s0 =	sadd.s32 $0x60, s0;
	s26 =	sadd.s32 $0x60, s26  }
0xc6: {  	s12 =	smov.u32 s1;
	s1 =	sadd.s32 $0x1, s1;
	[tilespmem:v5+s23+$0x0] =	vst.idx.msk $0xffff, v12  }
0xc7: {  	v12 =	vld [tilespmem:s31+$0xFFFFFFD0]  }
0xc8: {  	s13 =	sand.u32 $0x78, s12;
	v13 =	vld [tilespmem:s31+$0xFFFFD5D0]  }
0xc9: {  	s12 =	sand.u32 $0x7, s12;
	s14 =	sadd.s32 s13, s24;
	s15 =	sadd.s32 s13, s28;
	v14 =	vld [tilespmem:s31+$0xFFFFD600]  }
0xca: {  	s16 =	sadd.s32 s13, s29;
	s14 =	sadd.s32 s12, s14;
	s15 =	sadd.s32 s12, s15;
	v15 =	vld [tilespmem:s31+$0x0]  }
0xcb: {  	s13 =	sadd.s32 s13, s30;
	s16 =	sadd.s32 s12, s16;
	s31 =	smov.u32 s26  }
0xcc: {  	s12 =	sadd.s32 s12, s13;
	v16 =	vunpack.i.u.bf16.f32 v12;
	v12 =	vunpack.i.l.bf16.f32 v12  }
0xcd: {  	v17 =	vunpack.i.u.bf16.f32 v13;
	v13 =	vunpack.i.l.bf16.f32 v13;
	v12 =	vmul.f32 v12, v11  }
0xce: {  	v18 =	vunpack.i.l.bf16.f32 v14;
	v13 =	vmul.f32 v13, v10;
	v10 =	vmul.f32 v17, v10  }
0xcf: {  	v11 =	vmul.f32 v16, v11;
	v14 =	vunpack.i.u.bf16.f32 v14;
	v17 =	vunpack.i.l.bf16.f32 v15  }
0xd0: {  	v12 =	vadd.f32 v12, v13;
	v13 =	vmul.f32 v18, v9;
	v16 =	vmul.f32 v17, v8  }
0xd1: {  	v15 =	vunpack.i.u.bf16.f32 v15;
	v10 =	vadd.f32 v11, v10;
	v9 =	vmul.f32 v14, v9  }
0xd2: {  	v8 =	vmul.f32 v15, v8;
	v11 =	vadd.f32 v12, v13  }
0xd3: {  	v9 =	vadd.f32 v10, v9  }
0xd4: {  	v10 =	vadd.f32 v16, v11  }
0xd5: {  	v8 =	vadd.f32 v8, v9  }
0xd6: {  	[tilespmem:v6+s23+$0x0] =	vst.idx.msk $0xffff, v10  }
0xd7: {  	[tilespmem:v7+s23+$0x0] =	vst.idx.msk $0xffff, v8;
	s23 =	smov.u32 s0  }
0xd8: {  	v10 =	vld.msk [tilespmem:s14+$0x0 ss:$0x0], $0xffff  }
0xd9: {  	v12 =	vld [tilespmem:s26+$0xFFFFFFB0]  }
0xda: {  	v11 =	vld.msk [tilespmem:s15+$0x0 ss:$0x0], $0xffff  }
0xdb: {  	v13 =	vld [tilespmem:s26+$0xFFFFD5B0]  }
0xdc: {  	v14 =	vld [tilespmem:s26+$0xFFFFD5E0]  }
0xdd: {  	v9 =	vld.msk [tilespmem:s16+$0x0 ss:$0x0], $0xffff  }
0xde: {  	v8 =	vld.msk [tilespmem:s12+$0x0 ss:$0x0], $0xffff  }
0xdf: {  	v15 =	vunpack.i.u.bf16.f32 v12;
	v16 =	vld [tilespmem:s26+$0xFFFFFFE0]  }
0xe0: {  	v12 =	vunpack.i.l.bf16.f32 v12;
	v17 =	vunpack.i.u.bf16.f32 v13;
	v13 =	vunpack.i.l.bf16.f32 v13  }
0xe1: {  	v12 =	vmul.f32 v12, v11;
	v18 =	vunpack.i.l.bf16.f32 v14;
	v13 =	vmul.f32 v13, v10  }
0xe2: {  	v15 =	vmul.f32 v15, v11;
	v14 =	vunpack.i.u.bf16.f32 v14;
	v17 =	vmul.f32 v17, v10  }
0xe3: {  	v12 =	vadd.f32 v12, v13;
	v13 =	vmul.f32 v18, v9  }
0xe4: {  	v14 =	vmul.f32 v14, v9;
	v15 =	vadd.f32 v15, v17;
	v18 =	vunpack.i.l.bf16.f32 v16  }
0xe5: {  	v16 =	vunpack.i.u.bf16.f32 v16;
	v12 =	vadd.f32 v12, v13;
	v13 =	vmul.f32 v18, v8  }
0xe6: {  	v14 =	vadd.f32 v15, v14;
	v15 =	vmul.f32 v16, v8  }
0xe7: {  	v12 =	vadd.f32 v13, v12  }
0xe8: {  	v13 =	vadd.f32 v15, v14  }
0xe9: {  	[tilespmem:v0+s0+$0x0] =	vst.idx.msk $0xffff, v12  }
0xea: {  	[tilespmem:v3+s0+$0x0] =	vst.idx.msk $0xffff, v13  }
0xeb: {  	v12 =	vld [tilespmem:s26+$0xFFFFD5C0]  }
0xec: {  	v13 =	vld [tilespmem:s26+$0xFFFFFFC0]  }
0xed: {  	v14 =	vld [tilespmem:s26+$0xFFFFD5F0];
	_ =	sdelay $0x2  }
0xee: {  	v15 =	vunpack.i.u.bf16.f32 v12;
	v12 =	vunpack.i.l.bf16.f32 v12;
	v16 =	vld [tilespmem:s26+$0xFFFFFFF0]  }
0xef: {  	v17 =	vunpack.i.u.bf16.f32 v13;
	v13 =	vunpack.i.l.bf16.f32 v13;
	v12 =	vmul.f32 v12, v10  }
0xf0: {  	v18 =	vunpack.i.l.bf16.f32 v14;
	v13 =	vmul.f32 v13, v11;
	v17 =	vmul.f32 v17, v11  }
0xf1: {  	v15 =	vmul.f32 v15, v10;
	v14 =	vunpack.i.u.bf16.f32 v14  }
0xf2: {  	v12 =	vadd.f32 v13, v12;
	v13 =	vmul.f32 v18, v9  }
.Ltmp3:
0xf3: {  	v14 =	vmul.f32 v14, v9;
	v15 =	vadd.f32 v17, v15;
	v18 =	vunpack.i.l.bf16.f32 v16;
	(pc) =	sbr.rel @p2 .LBB2_9-.Ltmp3, $4  }
0xf4: {  	v16 =	vunpack.i.u.bf16.f32 v16;
	v12 =	vadd.f32 v12, v13;
	v13 =	vmul.f32 v18, v8  }
0xf5: {  	v14 =	vadd.f32 v15, v14;
	v15 =	vmul.f32 v16, v8  }
0xf6: {  	v13 =	vadd.f32 v13, v12  }
0xf7: {  	v12 =	vadd.f32 v15, v14  }
0xf8: {  	s0 =	smul.u32 $0x70, s22;
	_ =	sdelay $0x1  }
0xf9: {  	s0 =	sadd.s32 s4, s0  }
0xfa: {  	s1 =	ssub.s32 s0, s7  }
0xfb: {  	s12 =	smulhi.u32 $0x92492493, s1;
	s13 =	sshra.s32 s1, $0x1F  }
0xfc: {  	[tilespmem:v4+s23+$0x0] =	vst.idx.msk $0xffff, v13;
	s14 =	smul.u32 $0x92492493, s13  }
0xfd: {  	[tilespmem:v5+s23+$0x0] =	vst.idx.msk $0xffff, v12;
	s12 =	ssub.s32 s12, s1  }
0xfe: {  	v12 =	vld [tilespmem:s31+$0xFFFFFFD0];
	s12 =	sadd.s32 s14, s12  }
0xff: {  	v13 =	vld [tilespmem:s31+$0xFFFFD5D0];
	s12 =	sadd.s32 s1, s12  }
0x100: {  	s30 =	sshrl.u32 s12, $0x1F;
	s12 =	sshra.s32 s12, $0x7  }
0x101: {  	v14 =	vld [tilespmem:s31+$0xFFFFD600];
	s12 =	sadd.s32 s30, s12  }
0x102: {  	p2 =	sne.s32 s0, s7;
	s0 =	simm.s32 $0x1;
	s14 =	smul.u32 $0xFFFFFF20, s12  }
0x103: {  	v15 =	vld [tilespmem:s31+$0x0];
	s0 =	simm.s32 @!p2 $0x0  }
0x104: {  	s0 =	sor.u32 s0, s13;
	v16 =	vunpack.i.u.bf16.f32 v12;
	v12 =	vunpack.i.l.bf16.f32 v12;
	v17 =	vunpack.i.l.bf16.f32 v13;
	s1 =	sadd.s32 s1, s14  }
0x105: {  	p6 =	sne.s32 s0, $0x1;
	v13 =	vunpack.i.u.bf16.f32 v13;
	v12 =	vmul.f32 v12, v11;
	v17 =	vmul.f32 v17, v10;
	p3 =	sne.s32 s1, $0x0  }
0x106: {  	s0 =	simm.s32 $0x1;
	v18 =	vunpack.i.l.bf16.f32 v14;
	v55 =	vmul.f32 v13, v10;
	v56 =	vmul.f32 v16, v11;
	p2 =	por !p3, !p6  }
0x107: {  	v57 =	vunpack.i.u.bf16.f32 v14;
	v58 =	vmul.f32 v18, v9;
	v12 =	vadd.f32 v12, v17;
	s13 =	sadd.s32 $0xE0, s1;
	p3 =	slt.s32 s1, $0x0;
	p2 =	por !p2, !p2  }
0x108: {  	v59 =	vunpack.i.l.bf16.f32 v15;
	v60 =	vmul.f32 v57, v9;
	v10 =	vadd.f32 v56, v55;
	s1 =	smov.u32 @p3 s13;
	s0 =	simm.s32 @!p2 $0x0  }
0x109: {  	v62 =	vunpack.i.u.bf16.f32 v15;
	v61 =	vmul.f32 v59, v8;
	v12 =	vadd.f32 v12, v58;
	s1 =	smul.u32 $0x60, s1;
	s0 =	ssub.s32 s12, s0  }
0x10a: {  	v8 =	vmul.f32 v62, v8;
	v9 =	vadd.f32 v10, v60;
	s0 =	smul.u32 $0x5400, s0  }
0x10b: {  	v63 =	vadd.f32 v61, v12;
	s1 =	sadd.s32 s9, s1  }
0x10c: {  	v8 =	vadd.f32 v8, v9;
	s0 =	sadd.s32 s0, s1  }
0x10d: {  	[tilespmem:v6+s23+$0x0] =	vst.idx.msk $0xffff, v63;
	p2 =	sne.s32 s25, $0x70;
	s0 =	sshrl.u32 s0, $0x3  }
.Ltmp4:
0x10e: {  	[tilespmem:v7+s23+$0x0] =	vst.idx.msk $0xffff, v8;
	s0 =	sadd.s32 s2, s0;
	(pc) =	sbr.rel @p2 .LBB2_4-.Ltmp4, $4  }
0x10f: {  	[hbm4b:s0+s3] =	stream.linear.scatter [tilespmem:s17], [sflag:$0x3], $0x2A00, $0x38;
	[tilespmem:$0x139C0] =	vst v63  }
0x110: {  	s21 =	sadd.s32 $0x70, s21;
	_ =	swait.ge [sflag:s11], $0x2A00  }
0x111: {  	s20 =	sadd.s32 $0x70, s20;
	p0 =	por !p0, !p0;
	[sflag:s11] =	ssyncset.done $0x0  }
0x112: {  	p1 =	por !p1, !p1;
	s22 =	smov.u32 s25;
	[sflag:s11] =	ssyncadd.s32 $0xFFFFD600  }
0x113: {  	s19 =	sadd.s32 $0x1, s19  }
0x114: {  	p0 =	sne.s32 s19, s10  }
.Ltmp5:
0x115: {  	_ = 	snop;
	(pc) =	sbr.rel @p0 .LBB2_1-.Ltmp5, $1  }
0x116: {  	_ =	sdelay $0x3  }
0x117: {  	_ =	sfence.sel $0x180000  }
0x118: {  	[bflag:$0x0] =	sbarrier.arrive $0xFFFF  }
0x119: {  	_ =	strace $0x9000004D  }
0x11a: {  	s0 =	stileid.u32;
	[bflag:$0x2] =	sbarrier.arrive $0xFFFF  }
0x11b: {  	p0 =	sne.s32 s0, $0x0;
	s0 =	rddreg [dreg:$0x2]  }
0x11c: {  	s0 =	sadd.s32 @!p0 $0x100000, s0  }
0x11d: {  	[sflag:s0] =	ssyncadd.tile.s32 @!p0 $0x1;
	_ =	shalt  }
.Lfunc_end2:
_tile_overlayer_lowered:
.L_overlay_start_2:
0x11e: {  	(tag) =	ssettag $0x2  }
0x11f: {  	s0 =	rddreg [dreg:$0x0];
	s2 =	stileid.u32  }
0x120: {  	s1 =	rddreg [dreg:$0x1];
	p0 =	sne.s32 s2, $0x0  }
0x121: {  	s3 =	rddreg [dreg:$0x2];
	[bflag:$0x3] =	sbarrier.arrive $0xFFFF;
	s2 =	simm.s32 @!p0 $0x1C03  }
0x122: {  	[timem:s3], [sflag:s2] =	dma.local @!p0 [hbm:s0], s1  }
0x123: {  	s0 =	simm.s32 @!p0 $0x3  }
0x124: {  	_ =	swait.ge @!p0 [sflag:s0], s1  }
0x125: {  	s1 =	ssub.s32 @!p0 $0x0, s1;
	[sflag:s0] =	ssyncset.done @!p0 $0x0  }
0x126: {  	[sflag:s0] =	ssyncadd.s32 @!p0 s1  }
0x127: {  	[bflag:$0x3] =	sbarrier.arrive $0xFFFF  }
0x128: {  	_ =	shalt  }

// kernel: sparse-core-data-format-call.1.cloned.1.call-start
scs
called_computation.1_lowered:
.L_overlay_start_0:
0x0: {  	s1 =	sld [smem:$0x3FD9]  }
0x1: {  	s2 =	sld [smem:$0x3FFE];
	_ =	sdelay $0x1  }
0x2: {  	s3 =	srdreg.scid  }
0x3: {  	s0 =	sand.u32 $0x1, s3  }
0x4: {  	s17 =	sshll.u32 s0, $0xA;
	s1 =	sadd.s32 s2, s1  }
0x5: {  	s1 =	sadd.s32 s1, s17  }
0x6: {  	[smem:$0x3FC6] =	sst s1  }
0x7: {  	_ = 	snop  }
0x8: {  	(tm) =	ssettm $0x1  }
0x9: {  	s18 =	sld [smem:$0x3FFB];
	_ =	sdelay $0x3  }
0xa: {  	_ =	strace s18  }
0xb: {  	s1 =	sld [smem:$0x3FFC];
	_ =	sdelay $0x3  }
0xc: {  	_ =	strace s1  }
0xd: {  	s1 =	sld [smem:$0x3FFD];
	_ =	sdelay $0x3  }
0xe: {  	_ =	strace s1  }
0xf: {  	_ =	strace $0x8FFFFFFF  }
0x10: {  	s19 =	sld [smem:$0x3FDB];
	_ =	sdelay $0x1  }
0x11: {  	s20 =	simm.s32 $_scs_section_size  }
0x12: {  	s4 =	simm.s32 $_size__tile_overlayer_lowered;
	s5 =	simm.s32 $_tile_overlayer_lowered  }
0x13: {  	s23 =	simm.s32 $0x1BFF;
	s22 =	sshll.u32 s5, $0x1;
	s1 =	sadd.s32 s20, s19  }
0x14: {  	s6 =	simm.s32 $0x0;
	s21 =	sshll.u32 s4, $0x1;
	s4 =	sadd.s32 s22, s1  }
0x15: {  	[timem:s6], [sflag:s23] =	dma.local [hbm:s4], s21  }
0x16: {  	_ =	swait.ge [sflag:s23], s21  }
0x17: {  	s2 =	ssub.s32 $0x0, s21;
	[sflag:s23] =	ssyncset.done $0x0  }
0x18: {  	[sflag:s23] =	ssyncadd.s32 s2;
	_ =	sdelay $0x1  }
0x19: {  	s24 =	simm.s32 $0x1B8B  }
0x1a: {  	_ =	swait.ge [sflag:s24], $0x1  }
0x1b: {  	[sflag:s24] =	ssyncset.done $0x0  }
0x1c: {  	s26 =	simm.s32 $0x1B8E;
	s25 =	sld [smem:$0x3FFE];
	[sflag:s24] =	ssyncadd.s32 $0xFFFFFFFF  }
0x1d: {  	s27 =	simm.s32 $execute0_lowered;
	[smem:$0x3FD2] =	sst s26  }
0x1e: {  	s4 =	sshll.u32 s27, $0x1;
	_ =	strace $0x80000049;
	[dreg:$0x1] =	wrdreg $0xFFFFFFFF  }
0x1f: {  	s28 =	simm.s32 $_size_execute0_lowered;
	s1 =	sadd.s32 s1, s4;
	[dreg:$0x0] =	wrdreg $0x0  }
0x20: {  	s4 =	sshll.u32 s28, $0x1;
	[dreg:$0x2] =	wrdreg s1  }
0x21: {  	[dreg:$0x3] =	wrdreg s4  }
0x22: {  	[dreg:$0x4] =	wrdreg $0xC0  }
0x23: {  	_ =	task [dreg:s6], $0x5FFFF  }
0x24: {  	[dreg:$0x1] =	wrdreg $0xFFFFFFFF  }
0x25: {  	[dreg:$0x0] =	wrdreg $0x60  }
0x26: {  	[dreg:$0x2] =	wrdreg s25  }
0x27: {  	[dreg:$0x3] =	wrdreg $0x9  }
0x28: {  	_ =	task.clear_ibuf [dreg:s6], $0x4FFFF;
	_ =	strace $0x90000049  }
0x29: {  	s29 =	simm.s32 $0x9;
	_ =	strace $0x8000004B  }
0x2a: {  	_ =	swait.ge [sflag:s29], $0x1  }
0x2b: {  	[sflag:s29] =	ssyncadd.s32 $0xFFFFFFFF  }
0x2c: {  	_ =	strace $0x9000004B  }
0x2d: {  	_ =	sfence  }
0x2e: {  	s30 =	sld [smem:$0x0];
	_ =	sdelay $0x2  }
0x2f: {  	s31 =	sshll.u32 s3, $0xD;
	s3 =	sshrl.u32 s3, $0x2  }
0x30: {  	s2 =	sand.u32 $0x4000, s31;
	s1 =	sadd.s32 s3, s30  }
0x31: {  	s0 =	sor.u32 s2, s0;
	s1 =	sshll.u32 s1, $0x11  }
0x32: {  	s0 =	sor.u32 s1, s0  }
0x33: {  	s0 =	sadd.s32 $0x8F2B, s0  }
0x34: {  	[sflag:s0] =	ssyncadd.remote.s32 $0x1  }
0x35: {  	_ =	sfence.sel $0xFFFF  }
0x36: {  	[dreg:$0x0] =	wrdreg $0xFFFFFFFF;
	(pc) =	sbr.abs _section_cstart, $3  }
0x37: {  	[dreg:$0x1] =	wrdreg $0xFFFFFFFF  }
0x38: {  	_ =	task.clear_ibuf [dreg:s6], $0x2FFFF;
	_ =	strace $0x9FFFFFFF  }
0x39: {  	(tm) =	ssettm $0x7FFFFFFF  }
tec
execute0_lowered:
.L_overlay_start_1:
0x0: {  	(tag) =	ssettag $0x1  }
0x1: {  	s0 =	srdreg.scid  }
0x2: {  	s1 =	sshll.u32 s0, $0x4  }
0x3: {  	s4 =	rddreg [dreg:$0x0];
	s0 =	stileid.u32;
	s1 =	sand.u32 $0x10, s1  }
0x4: {  	s7 =	simm.s32 $0x1;
	s8 =	simm.s32 $0x2;
	s2 =	sor.u32 s0, s1  }
0x5: {  	s9 =	simm.s32 $0x0;
	s12 =	simm.s32 $0x0;
	s2 =	sshll.u32 s2, $0x4  }
0x6: {  	s11 =	simm.s32 $0x0;
	s3 =	sadd.s32 $0x2B9E00, s4;
	s6 =	ssub.s32 $0x9300, s2  }
.Ltmp0:
0x7: {  	s4 =	sadd.s32 $0x751E00, s4;
	s5 =	sand.u32 $0x1F0, s6;
	(pc) =	sbr.rel .LBB1_1-.Ltmp0, $4  }
0x8: {  	s1 =	rddreg [dreg:$0x1];
	_ =	strace $0x8000004A;
	p0 =	sne.s32 s5, $0x0  }
0x9: {  	s6 =	sshrl.u32 s6, $0x9;
	s5 =	simm.s32 $0x1;
	s7 =	simm.s32 @!p0 $0x0  }
0xa: {  	s10 =	smov.u32 s2;
	[sflag:s5] =	ssyncpa.u1 $0x0;
	s6 =	sadd.s32 s7, s6  }
0xb: {  	[sflag:s8] =	ssyncpa.u1 $0x0;
	s8 =	simm.s32 $0x0;
	s7 =	sadd.s32 $0x1, s6  }
.LBB1_7:
0xc: {  	s14 =	sadd.s32 $0x200, s10  }
0xd: {  	p1 =	sgt.s32 s14, $0x92FF  }
0xe: {  	s14 =	smov.u32 @p1 s2;
	p1 =	sne.s32 s11, s7  }
.Ltmp1:
0xf: {  	p0 =	slt.u32 s11, $0x2;
	(pc) =	sbr.rel @!p1 .LBB1_8-.Ltmp1, $4  }
0x10: {  	s13 =	simm.s32 @!p0 $0x2  }
0x11: {  	s15 =	sadd.s32 $0x1, s11;
	_ =	swait.ge @!p0 [sflag:s13], $0x4000  }
0x12: {  	s12 =	smov.u32 s10;
	s9 =	sadd.s32 $0x8000, s9;
	[sflag:s13] =	ssyncset.done @!p0 $0x0  }
0x13: {  	s11 =	smov.u32 s15;
	s10 =	smov.u32 s14;
	[sflag:s13] =	ssyncadd.s32 @!p0 $0xFFFFC000  }
.LBB1_1:
0x14: {  	p0 =	sge.u32 s11, s6  }
0x15: {  	s13 =	sxor.u32 @!p0 $0xFFFFFFFF, s11  }
0x16: {  	s31 =	sadd.s32 $0xFFFFFFFF, s11;
	s14 =	sshll.u32 @!p0 s10, $0x7;
	s13 =	sshll.u32 @!p0 s13, $0xE  }
0x17: {  	s15 =	simm.s32 @!p0 $0x0;
	s14 =	sadd.s32 @!p0 s3, s14;
	s13 =	sand.u32 @!p0 $0x4000, s13  }
0x18: {  	[tilespmem:s13], [sflag:$0x1] =	stream.linear.gather @!p0 [hbm4b:s14+s15], $0x4000, $0x38;
	[tilespmem:$0x10000] =	vst v63  }
0x19: {  	p0 =	sge.u32 s31, s6  }
.Ltmp2:
0x1a: {  	_ = 	snop;
	(pc) =	sbr.rel @p0 .LBB1_7-.Ltmp2, $1  }
0x1b: {  	_ =	sdelay $0x3  }
0x1c: {  	s13 =	sshrl.u32 s9, $0x1;
	_ =	swait.ge [sflag:s5], $0x4000  }
0x1d: {  	s15 =	sshll.u32 s11, $0xE;
	s16 =	simm.s32 $0x0;
	s14 =	sand.u32 $0x4000, s13  }
0x1e: {  	[sflag:s5] =	ssyncset.done $0x0;
	s15 =	sand.u32 $0x4000, s15;
	s13 =	sor.u32 $0x200, s14  }
0x1f: {  	s14 =	sor.u32 $0x8080, s14;
	[sflag:s5] =	ssyncadd.s32 $0xFFFFC000;
	s15 =	sor.u32 $0x8000, s15  }
.LBB1_3:
0x20: {  	v0 =	vld [tilespmem:s13+$0xFFFFFE70]  }
0x21: {  	v1 =	vld [tilespmem:s13+$0x70]  }
0x22: {  	v2 =	vld [tilespmem:s13+$0x0]  }
0x23: {  	v3 =	vld [tilespmem:s13+$0xFFFFFE10]  }
0x24: {  	v4 =	vld [tilespmem:s13+$0x10]  }
0x25: {  	v5 =	vld [tilespmem:s13+$0xFFFFFE20]  }
0x26: {  	v7 =	vld [tilespmem:s13+$0x20]  }
0x27: {  	v11 =	vld [tilespmem:s13+$0x30];
	v6 =	vunpack.i.l.s16.s32 v0;
	v8 =	vunpack.i.u.s16.s32 v0;
	v9 =	vunpack.i.u.s16.s32 v1  }
0x28: {  	v10 =	vunpack.i.l.s16.s32 v1;
	v0 =	vunpack.i.u.s16.s32 v2;
	v1 =	vunpack.i.l.s16.s32 v2;
	v2 =	vld [tilespmem:s13+$0xFFFFFE30]  }
0x29: {  	v8 =	vpack.i.b32.b16 v9, v8;
	v9 =	vunpack.i.u.s16.s32 v3;
	v3 =	vunpack.i.l.s16.s32 v3  }
0x2a: {  	v12 =	vld [tilespmem:s13+$0xFFFFFE40];
	v6 =	vpack.i.b32.b16 v10, v6;
	[tilespmem:s14+$0x70] =	vst v8;
	v8 =	vunpack.i.u.s16.s32 v4;
	v4 =	vunpack.i.l.s16.s32 v4  }
0x2b: {  	v13 =	vld [tilespmem:s13+$0x40];
	v10 =	vunpack.i.u.s16.s32 v5;
	v5 =	vunpack.i.l.s16.s32 v5;
	[tilespmem:s14+$0xFFFFFFF0] =	vst v6;
	v3 =	vpack.i.b32.b16 v4, v3  }
0x2c: {  	v6 =	vunpack.i.l.s16.s32 v7;
	v4 =	vld [tilespmem:s13+$0xFFFFFE50];
	[tilespmem:s14+$0xFFFFFF90] =	vst v3;
	v3 =	vpack.i.b32.b16 v8, v9;
	v8 =	vunpack.i.u.s16.s32 v7  }
0x2d: {  	v7 =	vunpack.i.l.s16.s32 v11;
	[tilespmem:s14+$0x10] =	vst v3;
	v3 =	vpack.i.b32.b16 v6, v5;
	v9 =	vunpack.i.u.s16.s32 v2;
	v6 =	vld [tilespmem:s13+$0x50]  }
0x2e: {  	v5 =	vunpack.i.l.s16.s32 v2;
	v2 =	vld [tilespmem:s13+$0xFFFFFE60];
	[tilespmem:s14+$0xFFFFFFA0] =	vst v3;
	v3 =	vpack.i.b32.b16 v8, v10;
	v10 =	vunpack.i.u.s16.s32 v11  }
0x2f: {  	s19 =	simm.s32 $0x0;
	v11 =	vpack.i.b32.b16 v7, v5;
	v7 =	vunpack.i.u.s16.s32 v12;
	v8 =	vunpack.i.l.s16.s32 v12;
	[tilespmem:s14+$0x20] =	vst v3;
	v3 =	vld [tilespmem:s13+$0x60]  }
0x30: {  	s20 =	sadd.s32 $0x80, s13;
	s18 =	smov.u32 s14;
	s17 =	smov.u32 s14;
	v5 =	vld [tilespmem:s13+$0xFFFFFE00];
	[tilespmem:s14+$0xFFFFFFB0] =	vst v11;
	v10 =	vpack.i.b32.b16 v10, v9;
	v9 =	vunpack.i.u.s16.s32 v13;
	v11 =	vunpack.i.l.s16.s32 v13  }
.LBB1_4:
0x31: {  	v12 =	vld [tilespmem:s20+$0xFFFFFE70];
	[tilespmem:s18+$0x30] =	vst v10;
	v8 =	vpack.i.b32.b16 v11, v8;
	v10 =	vunpack.i.u.s16.s32 v4;
	v4 =	vunpack.i.l.s16.s32 v4  }
0x32: {  	s19 =	sadd.s32 $0x2, s19;
	v7 =	vpack.i.b32.b16 v9, v7;
	v11 =	vld [tilespmem:s20+$0x70];
	[tilespmem:s18+$0xFFFFFFC0] =	vst v8;
	v8 =	vunpack.i.u.s16.s32 v6;
	v6 =	vunpack.i.l.s16.s32 v6  }
0x33: {  	p0 =	slt.u32 s19, $0x6;
	v9 =	vld [tilespmem:s20+$0x0];
	[tilespmem:s18+$0x40] =	vst v7;
	v4 =	vpack.i.b32.b16 v6, v4;
	v6 =	vunpack.i.u.s16.s32 v2;
	v2 =	vunpack.i.l.s16.s32 v2  }
0x34: {  	v7 =	vld [tilespmem:s20+$0xFFFFFE10];
	[tilespmem:s18+$0xFFFFFFD0] =	vst v4;
	v4 =	vpack.i.b32.b16 v8, v10;
	v8 =	vunpack.i.u.s16.s32 v3;
	v3 =	vunpack.i.l.s16.s32 v3  }
0x35: {  	v10 =	vld [tilespmem:s20+$0x10];
	v13 =	vunpack.i.u.s16.s32 v5;
	v5 =	vunpack.i.l.s16.s32 v5;
	[tilespmem:s18+$0x50] =	vst v4;
	v2 =	vpack.i.b32.b16 v3, v2  }
0x36: {  	v3 =	vld [tilespmem:s20+$0xFFFFFE20];
	v4 =	vunpack.i.l.s16.s32 v12;
	v1 =	vpack.i.b32.b16 v1, v5;
	v5 =	vpack.i.b32.b16 v0, v13;
	[tilespmem:s18+$0xFFFFFFE0] =	vst v2  }
0x37: {  	v12 =	vunpack.i.u.s16.s32 v12;
	v2 =	vld [tilespmem:s20+$0x20];
	v13 =	vunpack.i.u.s16.s32 v11;
	v11 =	vunpack.i.l.s16.s32 v11;
	[tilespmem:s18+$0xFFFFFF80] =	vst v1  }
0x38: {  	s18 =	sadd.s32 $0x100, s18;
	v0 =	vunpack.i.u.s16.s32 v9;
	v1 =	vunpack.i.l.s16.s32 v9;
	v9 =	vld [tilespmem:s20+$0xFFFFFE30];
	v12 =	vpack.i.b32.b16 v13, v12;
	[tilespmem:s17+$0x0] =	vst v5  }
0x39: {  	v6 =	vpack.i.b32.b16 v8, v6;
	v5 =	vunpack.i.u.s16.s32 v7;
	v7 =	vunpack.i.l.s16.s32 v7;
	v13 =	vld [tilespmem:s20+$0x30];
	[tilespmem:s18+$0x70] =	vst v12  }
0x3a: {  	v4 =	vpack.i.b32.b16 v11, v4;
	v8 =	vunpack.i.u.s16.s32 v10;
	v10 =	vunpack.i.l.s16.s32 v10;
	v12 =	vld [tilespmem:s20+$0xFFFFFE40];
	[tilespmem:s17+$0x60] =	vst v6;
	s17 =	smov.u32 s18  }
0x3b: {  	v6 =	vpack.i.b32.b16 v10, v7;
	v7 =	vunpack.i.u.s16.s32 v3;
	v3 =	vunpack.i.l.s16.s32 v3;
	v11 =	vld [tilespmem:s20+$0x40];
	[tilespmem:s18+$0xFFFFFFF0] =	vst v4  }
.Ltmp3:
0x3c: {  	v5 =	vpack.i.b32.b16 v8, v5;
	[tilespmem:s18+$0xFFFFFF90] =	vst v6;
	v8 =	vunpack.i.u.s16.s32 v2;
	v2 =	vunpack.i.l.s16.s32 v2;
	v4 =	vld [tilespmem:s20+$0xFFFFFE50];
	(pc) =	sbr.rel @p0 .LBB1_4-.Ltmp3, $4  }
0x3d: {  	[tilespmem:s18+$0x10] =	vst v5;
	v2 =	vpack.i.b32.b16 v2, v3;
	v10 =	vunpack.i.u.s16.s32 v9;
	v3 =	vunpack.i.l.s16.s32 v9;
	v6 =	vld [tilespmem:s20+$0x50]  }
0x3e: {  	v5 =	vpack.i.b32.b16 v8, v7;
	[tilespmem:s18+$0xFFFFFFA0] =	vst v2;
	v9 =	vunpack.i.u.s16.s32 v13;
	v7 =	vunpack.i.l.s16.s32 v13;
	v2 =	vld [tilespmem:s20+$0xFFFFFE60]  }
0x3f: {  	[tilespmem:s18+$0x20] =	vst v5;
	v13 =	vpack.i.b32.b16 v7, v3;
	v7 =	vunpack.i.u.s16.s32 v12;
	v8 =	vunpack.i.l.s16.s32 v12;
	v3 =	vld [tilespmem:s20+$0x60]  }
0x40: {  	v10 =	vpack.i.b32.b16 v9, v10;
	v5 =	vld [tilespmem:s20+$0xFFFFFE00];
	[tilespmem:s18+$0xFFFFFFB0] =	vst v13;
	v9 =	vunpack.i.u.s16.s32 v11;
	v11 =	vunpack.i.l.s16.s32 v11;
	s20 =	sadd.s32 $0x80, s20  }
0x41: {  	[tilespmem:s18+$0x30] =	vst v10;
	v8 =	vpack.i.b32.b16 v11, v8  }
0x42: {  	v51 =	vunpack.i.l.s16.s32 v4;
	v7 =	vpack.i.b32.b16 v9, v7;
	[tilespmem:s18+$0xFFFFFFC0] =	vst v8;
	v52 =	vunpack.i.l.s16.s32 v6  }
0x43: {  	v53 =	vunpack.i.u.s16.s32 v4;
	s16 =	sadd.s32 $0x1, s16;
	v54 =	vunpack.i.u.s16.s32 v6;
	[tilespmem:s18+$0x40] =	vst v7;
	v55 =	vpack.i.b32.b16 v52, v51  }
0x44: {  	p0 =	sne.s32 s16, $0x10;
	v56 =	vunpack.i.l.s16.s32 v2;
	v4 =	vpack.i.b32.b16 v54, v53;
	[tilespmem:s18+$0xFFFFFFD0] =	vst v55;
	v57 =	vunpack.i.l.s16.s32 v3  }
.Ltmp4:
0x45: {  	[tilespmem:s18+$0x50] =	vst v4;
	v58 =	vunpack.i.l.s16.s32 v5;
	v59 =	vpack.i.b32.b16 v57, v56;
	(pc) =	sbr.rel @p0 .LBB1_3-.Ltmp4, $4  }
0x46: {  	v61 =	vunpack.i.u.s16.s32 v2;
	v62 =	vunpack.i.u.s16.s32 v3;
	v1 =	vpack.i.b32.b16 v1, v58;
	[tilespmem:s18+$0xFFFFFFE0] =	vst v59  }
0x47: {  	v60 =	vunpack.i.u.s16.s32 v5;
	v63 =	vpack.i.b32.b16 v62, v61;
	[tilespmem:s18+$0xFFFFFF80] =	vst v1  }
0x48: {  	v0 =	vpack.i.b32.b16 v0, v60;
	[tilespmem:s17+$0x60] =	vst v63  }
0x49: {  	s13 =	sadd.s32 $0x400, s13;
	s14 =	sadd.s32 $0x400, s14;
	[tilespmem:s17+$0x0] =	vst v0  }
.Ltmp5:
0x4a: {  	(pc) =	sbr.rel .LBB1_7-.Ltmp5, $4  }
0x4b: {  	_ = 	snop  }
0x4c: {  	s12 =	sshll.u32 s12, $0x7  }
0x4d: {  	s12 =	sadd.s32 s4, s12  }
0x4e: {  	[hbm4b:s12+s8] =	stream.linear.scatter [tilespmem:s15], [sflag:$0x2], $0x4000, $0x38;
	[tilespmem:$0x10000] =	vst v63  }
.LBB1_8:
0x4f: {  	_ =	sfence.sel $0x180000  }
0x50: {  	s2 =	simm.s32 $0x1;
	[bflag:$0x0] =	sbarrier.arrive $0xFFFF  }
0x51: {  	s31 =	simm.s32 $0x2;
	[sflag:s2] =	ssyncpa.u1 $0x1  }
0x52: {  	[sflag:s31] =	ssyncpa.u1 $0x1  }
0x53: {  	p0 =	sne.s32 s0, $0x0;
	_ =	strace $0x9000004A  }
0x54: {  	s0 =	sadd.s32 @!p0 $0x100000, s1;
	[bflag:$0x2] =	sbarrier.arrive $0xFFFF  }
0x55: {  	[sflag:s0] =	ssyncadd.tile.s32 @!p0 $0x1;
	_ =	shalt  }
.Lfunc_end1:
_tile_overlayer_lowered:
.L_overlay_start_2:
0x56: {  	(tag) =	ssettag $0x2  }
0x57: {  	s0 =	rddreg [dreg:$0x0];
	s2 =	stileid.u32  }
0x58: {  	s1 =	rddreg [dreg:$0x1];
	p0 =	sne.s32 s2, $0x0  }
0x59: {  	s3 =	rddreg [dreg:$0x2];
	[bflag:$0x3] =	sbarrier.arrive $0xFFFF;
	s2 =	simm.s32 @!p0 $0x1C01  }
0x5a: {  	[timem:s3], [sflag:s2] =	dma.local @!p0 [hbm:s0], s1  }
0x5b: {  	s0 =	simm.s32 @!p0 $0x1  }
0x5c: {  	_ =	swait.ge @!p0 [sflag:s0], s1  }
0x5d: {  	s1 =	ssub.s32 @!p0 $0x0, s1;
	[sflag:s0] =	ssyncset.done @!p0 $0x0  }
0x5e: {  	[sflag:s0] =	ssyncadd.s32 @!p0 s1  }
0x5f: {  	[bflag:$0x3] =	sbarrier.arrive $0xFFFF  }
0x60: {  	_ =	shalt  }

// kernel: sparse-core-data-format-call.2.cloned.1.call-start
scs
called_computation.2_lowered:
.L_overlay_start_0:
0x0: {  	s2 =	sld [smem:$0x3FD9]  }
0x1: {  	s3 =	sld [smem:$0x3FFE];
	_ =	sdelay $0x1  }
0x2: {  	s1 =	srdreg.scid  }
0x3: {  	s0 =	sand.u32 $0x1, s1  }
0x4: {  	s18 =	sshll.u32 s0, $0xA;
	s2 =	sadd.s32 s3, s2  }
0x5: {  	s2 =	sadd.s32 s2, s18  }
0x6: {  	[smem:$0x3FC6] =	sst s2  }
0x7: {  	_ = 	snop  }
0x8: {  	s2 =	sld [smem:$0x3FD0];
	(tm) =	ssettm $0x1  }
0x9: {  	s19 =	sld [smem:$0x3FFB];
	_ =	sdelay $0x3  }
0xa: {  	_ =	strace s19  }
0xb: {  	s3 =	sld [smem:$0x3FFC];
	_ =	sdelay $0x3  }
0xc: {  	_ =	strace s3  }
0xd: {  	s3 =	sld [smem:$0x3FFD];
	_ =	sdelay $0x3  }
0xe: {  	_ =	strace s3  }
0xf: {  	_ =	strace $0x8FFFFFFF  }
0x10: {  	s20 =	sld [smem:$0x3FDB];
	_ =	sdelay $0x1  }
0x11: {  	s4 =	simm.s32 $_scs_section_size  }
0x12: {  	s5 =	simm.s32 $_size__tile_overlayer_lowered;
	s6 =	simm.s32 $_tile_overlayer_lowered  }
0x13: {  	s23 =	simm.s32 $0x1BFF;
	s22 =	sshll.u32 s6, $0x1;
	s3 =	sadd.s32 s4, s20  }
0x14: {  	s7 =	simm.s32 $0x0;
	s21 =	sshll.u32 s5, $0x1;
	s5 =	sadd.s32 s22, s3  }
0x15: {  	[timem:s7], [sflag:s23] =	dma.local [hbm:s5], s21  }
0x16: {  	_ =	swait.ge [sflag:s23], s21  }
0x17: {  	s4 =	ssub.s32 $0x0, s21;
	[sflag:s23] =	ssyncset.done $0x0  }
0x18: {  	[sflag:s23] =	ssyncadd.s32 s4;
	_ =	sdelay $0x1  }
0x19: {  	s24 =	simm.s32 $0x1B8B  }
0x1a: {  	_ =	swait.ge [sflag:s24], $0x1  }
0x1b: {  	[sflag:s24] =	ssyncset.done $0x0  }
0x1c: {  	s26 =	simm.s32 $0x1B8E;
	s25 =	sld [smem:$0x3FFE];
	[sflag:s24] =	ssyncadd.s32 $0xFFFFFFFF  }
0x1d: {  	s27 =	simm.s32 $execute0_lowered;
	[smem:$0x3FD2] =	sst s26  }
0x1e: {  	s5 =	sshll.u32 s27, $0x1;
	_ =	strace $0x80000046;
	[dreg:$0x1] =	wrdreg $0xFFFFFFFF  }
0x1f: {  	s28 =	simm.s32 $_size_execute0_lowered;
	s3 =	sadd.s32 s3, s5;
	[dreg:$0x0] =	wrdreg $0x0  }
0x20: {  	s5 =	sshll.u32 s28, $0x1;
	[dreg:$0x2] =	wrdreg s3  }
0x21: {  	[dreg:$0x3] =	wrdreg s5  }
0x22: {  	[dreg:$0x4] =	wrdreg $0xC0  }
0x23: {  	_ =	task [dreg:s7], $0x5FFFF  }
0x24: {  	[dreg:$0x1] =	wrdreg $0xFFFFFFFF  }
0x25: {  	[dreg:$0x0] =	wrdreg $0x60  }
0x26: {  	[dreg:$0x2] =	wrdreg s25  }
0x27: {  	[dreg:$0x3] =	wrdreg s2  }
0x28: {  	[dreg:$0x4] =	wrdreg $0x9  }
0x29: {  	_ =	task.clear_ibuf [dreg:s7], $0x5FFFF;
	_ =	strace $0x90000046  }
0x2a: {  	s29 =	simm.s32 $0x9;
	_ =	strace $0x80000048  }
0x2b: {  	_ =	swait.ge [sflag:s29], $0x1  }
0x2c: {  	[sflag:s29] =	ssyncadd.s32 $0xFFFFFFFF  }
0x2d: {  	_ =	strace $0x90000048  }
0x2e: {  	_ =	sfence  }
0x2f: {  	s30 =	sld [smem:$0x0];
	_ =	sdelay $0x2  }
0x30: {  	s31 =	sshll.u32 s1, $0xD;
	s1 =	sshrl.u32 s1, $0x2  }
0x31: {  	s3 =	sand.u32 $0x4000, s31;
	s1 =	sadd.s32 s1, s30  }
0x32: {  	s0 =	sor.u32 s3, s0;
	s1 =	sshll.u32 s1, $0x11  }
0x33: {  	s0 =	sor.u32 s1, s0  }
0x34: {  	s0 =	sadd.s32 $0x8F2B, s0  }
0x35: {  	[sflag:s0] =	ssyncadd.remote.s32 $0x1  }
0x36: {  	_ =	sfence.sel $0xFFFF  }
0x37: {  	[dreg:$0x0] =	wrdreg $0xFFFFFFFF;
	(pc) =	sbr.abs _section_cstart, $3  }
0x38: {  	[dreg:$0x1] =	wrdreg $0xFFFFFFFF  }
0x39: {  	_ =	task.clear_ibuf [dreg:s7], $0x2FFFF;
	_ =	strace $0x9FFFFFFF  }
0x3a: {  	(tm) =	ssettm $0x7FFFFFFF  }
0x3b: {  	_ =	shalt  }
tec
execute0_lowered:
.L_overlay_start_1:
0x0: {  	(tag) =	ssettag $0x1  }
0x1: {  	s3 =	rddreg [dreg:$0x0]  }
0x2: {  	s2 =	rddreg [dreg:$0x1];
	s1 =	srdreg.scid;
	_ =	strace $0x80000047  }
0x3: {  	s7 =	simm.s32 $0x2;
	p0 =	por $0x0, $0x0;
	s13 =	simm.s32 $0x0  }
0x4: {  	s14 =	simm.s32 $0x0;
	s9 =	simm.s32 $0x0;
	s10 =	simm.s32 $0x0  }
.Ltmp0:
0x5: {  	s8 =	simm.s32 $0x0;
	s4 =	sshll.u32 s1, $0x4;
	(pc) =	sbr.rel .LBB1_1-.Ltmp0, $4  }
0x6: {  	s1 =	stileid.u32;
	s3 =	sadd.s32 $0x1600, s3;
	s4 =	sand.u32 $0x10, s4  }
0x7: {  	s5 =	sand.u32 $0x7, s1;
	s6 =	sor.u32 s1, s4;
	s4 =	simm.s32 $0x1  }
0x8: {  	s12 =	smov.u32 s5;
	[sflag:s4] =	ssyncpa.u1 $0x0;
	s6 =	sshrl.u32 s6, $0x3  }
0x9: {  	[sflag:s7] =	ssyncpa.u1 $0x0;
	s7 =	simm.s32 $0x0;
	s11 =	smov.u32 s6  }
.LBB1_9:
0xa: {  	s0 =	smul.u32 $0x8100, s18  }
0xb: {  	s15 =	smul.u32 $0xE000, s15  }
0xc: {  	s16 =	smul.u32 $0x62000, s10  }
0xd: {  	s17 =	smul.u32 $0x700, s9  }
0xe: {  	s0 =	sshrl.u32 s0, $0x1;
	s16 =	sadd.s32 s2, s16  }
0xf: {  	s15 =	sshrl.u32 s15, $0x2;
	s0 =	sor.u32 $0x8000, s0;
	s16 =	sadd.s32 s17, s16  }
0x10: {  	[hbm4b:s16+s7] =	stream.linear.scatter [tilespmem:s0], [sflag:$0x2], s15, $0x20;
	[tilespmem:$0x10100] =	vst v63  }
.LBB1_10:
0x11: {  	p1 =	slt.u32 s8, $0x2;
	s15 =	smov.u32 s14;
	s17 =	smov.u32 s12  }
0x12: {  	s8 =	sadd.s32 $0x1, s8;
	p2 =	sgt.s32 @!p1 s14, $0x7;
	s0 =	sshra.s32 @!p1 s14, $0x1F  }
0x13: {  	p3 =	sgt.s32 @!p1 s13, $0xDF;
	s16 =	sshra.s32 @!p1 s13, $0x1F;
	p2 =	por !p2, p1  }
0x14: {  	s0 =	sand.u32 @!p1 s0, s14;
	p3 =	por !p3, p1;
	s14 =	smov.u32 s13  }
0x15: {  	s13 =	sand.u32 @!p1 s16, s13;
	s15 =	simm.s32 @p2 $0x7;
	s14 =	simm.s32 @p3 $0xDF  }
0x16: {  	p0 =	por !p0, !p0;
	s0 =	ssub.s32 @!p1 s15, s0;
	s13 =	ssub.s32 @!p1 s14, s13  }
0x17: {  	s14 =	sadd.s32 @!p1 $0xFFFFFFF9, s0;
	s0 =	ssub.s32 @!p1 $0x8, s0;
	s15 =	sadd.s32 @!p1 $0xFFFFFF21, s13  }
0x18: {  	p2 =	sgt.s32 @!p1 s14, $0x0;
	p3 =	sgt.s32 @!p1 s15, $0x0;
	s0 =	smul.u32 @!p1 $0xE000, s0  }
0x19: {  	s13 =	ssub.s32 @!p1 $0xE0, s13;
	p3 =	por !p3, p1;
	p2 =	por !p2, p1  }
0x1a: {  	s15 =	sadd.s32 $0x4, s11;
	s13 =	simm.s32 @!p3 $0x0;
	s0 =	simm.s32 @!p2 $0x0  }
0x1b: {  	p2 =	sgt.s32 s15, $0xDF;
	s0 =	smul.u32 @!p1 s13, s0;
	s13 =	sadd.s32 $0x8, s12  }
0x1c: {  	s15 =	smov.u32 @p2 s6;
	s17 =	smov.u32 @p2 s13;
	p2 =	sne.s32 s8, $0x3A  }
.Ltmp1:
0x1d: {  	s16 =	simm.s32 @!p1 $0x2;
	s14 =	smov.u32 s10;
	(pc) =	sbr.rel @!p2 .LBB1_11-.Ltmp1, $4  }
0x1e: {  	s10 =	smov.u32 s12;
	s13 =	smov.u32 s9;
	s0 =	sshrl.u32 @!p1 s0, $0x2  }
0x1f: {  	s9 =	smov.u32 s11;
	p3 =	sgt.s32 s17, $0x7;
	_ =	swait.ge @!p1 [sflag:s16], s0  }
0x20: {  	s0 =	ssub.s32 @!p1 $0x0, s0;
	s17 =	smov.u32 @p3 s5;
	[sflag:s16] =	ssyncset.done @!p1 $0x0  }
0x21: {  	s11 =	smov.u32 s15;
	s12 =	smov.u32 s17;
	[sflag:s16] =	ssyncadd.s32 @!p1 s0  }
.LBB1_1:
0x22: {  	p1 =	sgt.u32 s8, $0x37  }
0x23: {  	p2 =	sgt.s32 @!p1 s12, $0x7  }
0x24: {  	s15 =	smov.u32 s12;
	p2 =	por !p2, p1  }
0x25: {  	s17 =	smov.u32 s11;
	s15 =	simm.s32 @p2 $0x7;
	p2 =	sgt.s32 @!p1 s11, $0xDF  }
0x26: {  	s16 =	sshra.s32 @!p1 s12, $0x1F;
	s18 =	sshra.s32 @!p1 s11, $0x1F;
	p2 =	por !p2, p1  }
0x27: {  	s16 =	sand.u32 @!p1 s16, s12;
	s18 =	sand.u32 @!p1 s18, s11;
	s17 =	simm.s32 @p2 $0xDF  }
0x28: {  	s15 =	ssub.s32 @!p1 s15, s16;
	s16 =	ssub.s32 @!p1 s17, s18  }
0x29: {  	s17 =	sadd.s32 @!p1 $0xFFFFFFF9, s15;
	s15 =	ssub.s32 @!p1 $0x8, s15;
	s18 =	sadd.s32 @!p1 $0xFFFFFF21, s16  }
0x2a: {  	p2 =	sgt.s32 @!p1 s17, $0x0;
	s15 =	smul.u32 @!p1 $0xC000, s15;
	p3 =	sgt.s32 @!p1 s18, $0x0  }
0x2b: {  	s16 =	ssub.s32 @!p1 $0xE0, s16;
	p2 =	por !p2, p1;
	p3 =	por !p3, p1  }
0x2c: {  	s15 =	simm.s32 @!p2 $0x0;
	s16 =	simm.s32 @!p3 $0x0  }
0x2d: {  	s15 =	smul.u32 @!p1 s16, s15  }
0x2e: {  	s17 =	sxor.u32 @!p1 $0xFFFFFFFF, s8;
	s16 =	smul.u32 @!p1 $0x54000, s12  }
0x2f: {  	s18 =	smul.u32 @!p1 $0x600, s11;
	s17 =	sshll.u32 @!p1 s17, $0xE  }
0x30: {  	s17 =	sand.u32 @!p1 $0x4000, s17;
	s16 =	sadd.s32 @!p1 s3, s16  }
0x31: {  	s15 =	sshrl.u32 @!p1 s15, $0x2;
	s16 =	sadd.s32 @!p1 s18, s16;
	s18 =	simm.s32 @!p1 $0x0  }
0x32: {  	[tilespmem:s17], [sflag:$0x1] =	stream.linear.gather @!p1 [hbm4b:s16+s18], s15, $0x38;
	[tilespmem:$0x10100] =	vst v63  }
0x33: {  	p1 =	seq.s32 s8, $0x0  }
0x34: {  	p2 =	seq.s32 @!p1 s8, $0x39  }
0x35: {  	p1 =	por p1, p2  }
.Ltmp2:
0x36: {  	_ = 	snop;
	(pc) =	sbr.rel @p1 .LBB1_10-.Ltmp2, $1  }
0x37: {  	_ =	sdelay $0x3  }
0x38: {  	p1 =	sgt.s32 s10, $0x7  }
0x39: {  	s15 =	smov.u32 s10;
	s16 =	sshra.s32 s10, $0x1F;
	s17 =	smov.u32 s9  }
0x3a: {  	s18 =	sshra.s32 s9, $0x1F;
	s15 =	simm.s32 @!p1 $0x7;
	p1 =	sgt.s32 s9, $0xDF  }
0x3b: {  	s16 =	sand.u32 s16, s10;
	s29 =	sand.u32 s18, s9;
	s17 =	simm.s32 @!p1 $0xDF  }
0x3c: {  	s15 =	ssub.s32 s15, s16;
	s16 =	ssub.s32 s17, s29  }
0x3d: {  	s30 =	sadd.s32 $0xFFFFFFF9, s15;
	s15 =	ssub.s32 $0x8, s15;
	s17 =	sadd.s32 $0xFFFFFF21, s16  }
0x3e: {  	p1 =	sgt.s32 s30, $0x0;
	s16 =	ssub.s32 $0xE0, s16;
	p2 =	sgt.s32 s17, $0x0  }
0x3f: {  	s15 =	simm.s32 @p1 $0x0;
	s16 =	simm.s32 @p2 $0x0  }
0x40: {  	s15 =	smul.u32 s15, s16;
	s16 =	sadd.s32 $0x1, s10  }
0x41: {  	s17 =	sadd.s32 $0x1, s9;
	p1 =	slt.s32 s16, $0x8  }
0x42: {  	s16 =	simm.s32 @!p1 $0x8;
	p1 =	slt.s32 s17, $0xE0  }
0x43: {  	s16 =	ssub.s32 s16, s10;
	s17 =	simm.s32 @!p1 $0xE0  }
0x44: {  	s17 =	ssub.s32 s17, s9;
	p1 =	slt.s32 s16, $0x1  }
0x45: {  	p2 =	slt.s32 @!p1 s17, $0x1  }
0x46: {  	s31 =	smul.u32 $0xC000, s15;
	p2 =	por p1, p2  }
.Ltmp3:
0x47: {  	_ = 	snop;
	(pc) =	sbr.rel @p2 .LBB1_9-.Ltmp3, $4  }
0x48: {  	s18 =	sshrl.u32 s31, $0x2  }
0x49: {  	_ =	swait.ge [sflag:s4], s18  }
0x4a: {  	s18 =	ssub.s32 $0x0, s18;
	[sflag:s4] =	ssyncset.done $0x0  }
0x4b: {  	[sflag:s4] =	ssyncadd.s32 s18;
	s18 =	sand.u32 $0x1, s8  }
0x4c: {  	s19 =	simm.s32 $0x1  }
0x4d: {  	s19 =	simm.s32 @!p0 $0x0  }
0x4e: {  	s19 =	smul.u32 $0x10200, s19;
	_ =	sdelay $0x1  }
0x4f: {  	s19 =	sshrl.u32 s19, $0x2  }
0x50: {  	s20 =	sshll.u32 @!p1 s18, $0xE;
	s21 =	simm.s32 $0x0;
	s19 =	sadd.s32 $0xB061, s19  }
.LBB1_4:
0x51: {  	s22 =	smov.u32 s19;
	s23 =	simm.s32 $0x0  }
.LBB1_5:
0x52: {  	s24 =	sadd.s32 s21, s23  }
0x53: {  	s24 =	sshll.u32 s24, $0x10  }
0x54: {  	s25 =	simm.s32 $0x0;
	s24 =	sshra.s32 s24, $0x2  }
0x55: {  	s26 =	sand.u32 $0x3C00, s25;
	s24 =	sadd.s32 s24, s20  }
0x56: {  	s25 =	sand.u32 $0x180, s25;
	s26 =	sadd.s32 s26, s24  }
0x57: {  	s27 =	sadd.s32 s25, s26  }
0x58: {  	v0 =	vld [tilespmem:s27+$0x240]  }
0x59: {  	v1 =	vld [tilespmem:s27+$0x250]  }
0x5a: {  	v2 =	vld [tilespmem:s27+$0x0]  }
0x5b: {  	v3 =	vld [tilespmem:s27+$0x10];
	_ =	sdelay $0x1  }
0x5c: {  	v4 =	vld [tilespmem:s27+$0x20]  }
0x5d: {  	v5 =	vld [tilespmem:s27+$0x30]  }
0x5e: {  	v6 =	vld [tilespmem:s27+$0x40];
	v1 =	vperm.xlane.i2c.b16 v1;
	v0 =	vperm.xlane.i2c.b16 v0  }
0x5f: {  	v7 =	vld [tilespmem:s27+$0x50];
	v2 =	vperm.xlane.i2c.b16 v2;
	v3 =	vperm.xlane.i2c.b16 v3  }
0x60: {  	v8 =	vld [tilespmem:s27+$0x60];
	v9 =	vcombine.low v0, v1  }
0x61: {  	v10 =	vld [tilespmem:s27+$0x70];
	v0 =	vcombine.high v0, v1;
	v1 =	vcombine.low v2, v3  }
0x62: {  	s31 =	simm.s32 $0x100;
	v11 =	vld [tilespmem:s27+$0x200];
	v4 =	vperm.xlane.i2c.b16 v4;
	v5 =	vperm.xlane.i2c.b16 v5;
	[tilespmem:s22+$0xFFFFFFFF ss:$0x81] =	vst.msk $0xffff, v9  }
0x63: {  	s25 =	sand.u32 $0x3C00, s31;
	s26 =	simm.s32 $0x80;
	v2 =	vcombine.high v2, v3;
	v3 =	vld [tilespmem:s27+$0x210];
	[tilespmem:s22+$0xFFFFCF9F ss:$0x81] =	vst.msk $0xffff, v1  }
0x64: {  	s28 =	sand.u32 $0x180, s26;
	s25 =	sadd.s32 s25, s24;
	v1 =	vcombine.low v4, v5;
	v4 =	vcombine.high v4, v5;
	v5 =	vld [tilespmem:s27+$0x230];
	[tilespmem:s22+$0x0 ss:$0x81] =	vst.msk $0xffff, v0  }
0x65: {  	s25 =	sadd.s32 s28, s25;
	v6 =	vperm.xlane.i2c.b16 v6;
	v0 =	vperm.xlane.i2c.b16 v7;
	v7 =	vld [tilespmem:s27+$0x220];
	[tilespmem:s22+$0xFFFFCFA0 ss:$0x81] =	vst.msk $0xffff, v2  }
0x66: {  	v2 =	vperm.xlane.i2c.b16 v8;
	v8 =	vld [tilespmem:s25+$0x240];
	[tilespmem:s22+$0xFFFFD7AF ss:$0x81] =	vst.msk $0xffff, v1;
	v1 =	vperm.xlane.i2c.b16 v10  }
0x67: {  	v10 =	vld [tilespmem:s25+$0x250];
	v9 =	vcombine.low v6, v0;
	v0 =	vcombine.high v6, v0  }
0x68: {  	[tilespmem:s22+$0xFFFFD7B0 ss:$0x81] =	vst.msk $0xffff, v4;
	v4 =	vperm.xlane.i2c.b16 v11;
	v6 =	vld [tilespmem:s25+$0x0];
	v3 =	vperm.xlane.i2c.b16 v3  }
0x69: {  	v11 =	vld [tilespmem:s25+$0x10];
	[tilespmem:s22+$0xFFFFDFBF ss:$0x81] =	vst.msk $0xffff, v9;
	v9 =	vcombine.low v2, v1  }
0x6a: {  	v2 =	vcombine.high v2, v1;
	v12 =	vcombine.low v4, v3  }
0x6b: {  	v1 =	vperm.xlane.i2c.b16 v5;
	[tilespmem:s22+$0xFFFFDFC0 ss:$0x81] =	vst.msk $0xffff, v0;
	v0 =	vperm.xlane.i2c.b16 v7;
	v7 =	vld [tilespmem:s25+$0x20]  }
0x6c: {  	v3 =	vcombine.high v4, v3;
	v14 =	vperm.xlane.i2c.b16 v8;
	[tilespmem:s22+$0xFFFFE7CF ss:$0x81] =	vst.msk $0xffff, v9;
	v9 =	vld [tilespmem:s25+$0x30]  }
0x6d: {  	v5 =	vld [tilespmem:s25+$0x40];
	v13 =	vperm.xlane.i2c.b16 v10;
	[tilespmem:s22+$0xFFFFEFDF ss:$0x81] =	vst.msk $0xffff, v12;
	v8 =	vperm.xlane.i2c.b16 v6  }
0x6e: {  	v4 =	vld [tilespmem:s25+$0x50];
	[tilespmem:s22+$0xFFFFE7D0 ss:$0x81] =	vst.msk $0xffff, v2;
	v6 =	vcombine.low v0, v1;
	v10 =	vperm.xlane.i2c.b16 v11  }
0x6f: {  	[tilespmem:s22+$0xFFFFEFE0 ss:$0x81] =	vst.msk $0xffff, v3;
	v3 =	vld [tilespmem:s25+$0x60];
	v15 =	vcombine.low v14, v13  }
0x70: {  	s27 =	sadd.s32 $0x2, s22;
	v2 =	vld [tilespmem:s25+$0x70];
	v11 =	vcombine.high v14, v13;
	[tilespmem:s22+$0xFFFFF7EF ss:$0x81] =	vst.msk $0xffff, v6;
	v12 =	vcombine.low v8, v10  }
0x71: {  	s29 =	simm.s32 $0x2;
	s30 =	simm.s32 $0x200;
	s28 =	smov.u32 s22;
	v6 =	vld [tilespmem:s25+$0x200];
	v7 =	vperm.xlane.i2c.b16 v7;
	[tilespmem:s27+$0xFFFFFFFF ss:$0x81] =	vst.msk $0xffff, v15;
	v9 =	vperm.xlane.i2c.b16 v9  }
.LBB1_6:
0x72: {  	s31 =	sand.u32 $0x3C00, s30;
	v8 =	vcombine.high v8, v10;
	v5 =	vperm.xlane.i2c.b16 v5;
	v10 =	vld [tilespmem:s25+$0x210];
	[tilespmem:s27+$0x0 ss:$0x81] =	vst.msk $0xffff, v11;
	s26 =	sadd.s32 $0x80, s26  }
0x73: {  	s0 =	sand.u32 $0x180, s26;
	s31 =	sadd.s32 s31, s24;
	[tilespmem:s27+$0xFFFFCF9F ss:$0x81] =	vst.msk $0xffff, v12;
	v11 =	vcombine.low v7, v9;
	v4 =	vperm.xlane.i2c.b16 v4;
	v12 =	vld [tilespmem:s25+$0x220]  }
0x74: {  	s29 =	sadd.s32 $0x2, s29;
	v7 =	vcombine.high v7, v9;
	[tilespmem:s27+$0xFFFFCFA0 ss:$0x81] =	vst.msk $0xffff, v8;
	v3 =	vperm.xlane.i2c.b16 v3;
	v8 =	vld [tilespmem:s25+$0x230];
	s25 =	sadd.s32 s0, s31  }
0x75: {  	p1 =	slt.u32 s29, $0x5E;
	v9 =	vld [tilespmem:s25+$0x240];
	[tilespmem:s27+$0xFFFFD7AF ss:$0x81] =	vst.msk $0xffff, v11;
	v11 =	vcombine.low v5, v4;
	v2 =	vperm.xlane.i2c.b16 v2  }
0x76: {  	v4 =	vcombine.high v5, v4;
	v13 =	vld [tilespmem:s25+$0x250];
	[tilespmem:s27+$0xFFFFD7B0 ss:$0x81] =	vst.msk $0xffff, v7;
	v5 =	vperm.xlane.i2c.b16 v6  }
0x77: {  	v6 =	vld [tilespmem:s25+$0x0];
	[tilespmem:s27+$0xFFFFDFBF ss:$0x81] =	vst.msk $0xffff, v11;
	v7 =	vcombine.low v3, v2;
	v10 =	vperm.xlane.i2c.b16 v10  }
0x78: {  	v2 =	vcombine.high v3, v2;
	v11 =	vld [tilespmem:s25+$0x10];
	[tilespmem:s27+$0xFFFFDFC0 ss:$0x81] =	vst.msk $0xffff, v4;
	v3 =	vperm.xlane.i2c.b16 v12  }
0x79: {  	v12 =	vld [tilespmem:s25+$0x20];
	[tilespmem:s27+$0xFFFFE7CF ss:$0x81] =	vst.msk $0xffff, v7;
	v4 =	vcombine.low v5, v10;
	v7 =	vperm.xlane.i2c.b16 v8  }
0x7a: {  	v15 =	vcombine.high v0, v1;
	v14 =	vld [tilespmem:s25+$0x30];
	[tilespmem:s27+$0xFFFFE7D0 ss:$0x81] =	vst.msk $0xffff, v2;
	v2 =	vcombine.high v5, v10;
	v0 =	vmov v3  }
.Ltmp4:
0x7b: {  	v9 =	vperm.xlane.i2c.b16 v9;
	v5 =	vld [tilespmem:s25+$0x40];
	v13 =	vperm.xlane.i2c.b16 v13;
	[tilespmem:s27+$0xFFFFEFDF ss:$0x81] =	vst.msk $0xffff, v4;
	v1 =	vmov v7;
	(pc) =	sbr.rel @p1 .LBB1_6-.Ltmp4, $4  }
0x7c: {  	v8 =	vperm.xlane.i2c.b16 v6;
	v4 =	vld [tilespmem:s25+$0x50];
	[tilespmem:s27+$0xFFFFEFE0 ss:$0x81] =	vst.msk $0xffff, v2;
	v6 =	vcombine.low v0, v1  }
0x7d: {  	v10 =	vperm.xlane.i2c.b16 v11;
	v3 =	vld [tilespmem:s25+$0x60];
	v16 =	vcombine.low v9, v13;
	[tilespmem:s28+$0xFFFFF7F0 ss:$0x81] =	vst.msk $0xffff, v15;
	s28 =	smov.u32 s27  }
0x7e: {  	v11 =	vcombine.high v9, v13;
	s27 =	sadd.s32 $0x2, s27;
	v7 =	vperm.xlane.i2c.b16 v12;
	v2 =	vld [tilespmem:s25+$0x70];
	[tilespmem:s28+$0xFFFFF7EF ss:$0x81] =	vst.msk $0xffff, v6  }
0x7f: {  	s30 =	sadd.s32 $0x100, s30;
	v12 =	vcombine.low v8, v10;
	v9 =	vperm.xlane.i2c.b16 v14;
	v6 =	vld [tilespmem:s25+$0x200];
	[tilespmem:s27+$0xFFFFFFFF ss:$0x81] =	vst.msk $0xffff, v16  }
0x80: {  	v8 =	vcombine.high v8, v10;
	v5 =	vperm.xlane.i2c.b16 v5;
	v49 =	vld [tilespmem:s25+$0x210];
	[tilespmem:s27+$0x0 ss:$0x81] =	vst.msk $0xffff, v11  }
0x81: {  	v51 =	vld [tilespmem:s25+$0x220];
	v0 =	vcombine.high v0, v1;
	[tilespmem:s27+$0xFFFFCF9F ss:$0x81] =	vst.msk $0xffff, v12;
	v50 =	vcombine.low v7, v9  }
0x82: {  	v53 =	vld [tilespmem:s25+$0x230];
	v4 =	vperm.xlane.i2c.b16 v4;
	v52 =	vcombine.high v7, v9;
	[tilespmem:s27+$0xFFFFCFA0 ss:$0x81] =	vst.msk $0xffff, v8  }
0x83: {  	v3 =	vperm.xlane.i2c.b16 v3;
	[tilespmem:s28+$0xFFFFF7F0 ss:$0x81] =	vst.msk $0xffff, v0;
	v2 =	vperm.xlane.i2c.b16 v2  }
0x84: {  	[tilespmem:s27+$0xFFFFD7AF ss:$0x81] =	vst.msk $0xffff, v50;
	v54 =	vcombine.low v5, v4;
	v4 =	vcombine.high v5, v4  }
0x85: {  	[tilespmem:s27+$0xFFFFD7B0 ss:$0x81] =	vst.msk $0xffff, v52;
	v55 =	vperm.xlane.i2c.b16 v6;
	v56 =	vcombine.low v3, v2  }
0x86: {  	[tilespmem:s27+$0xFFFFDFBF ss:$0x81] =	vst.msk $0xffff, v54;
	v57 =	vperm.xlane.i2c.b16 v49;
	v2 =	vcombine.high v3, v2  }
0x87: {  	s23 =	sadd.s32 $0x1, s23;
	v58 =	vperm.xlane.i2c.b16 v51;
	v60 =	vperm.xlane.i2c.b16 v53;
	[tilespmem:s27+$0xFFFFDFC0 ss:$0x81] =	vst.msk $0xffff, v4  }
0x88: {  	p1 =	sne.s32 s23, s17;
	[tilespmem:s27+$0xFFFFE7CF ss:$0x81] =	vst.msk $0xffff, v56;
	v59 =	vcombine.low v55, v57  }
.Ltmp5:
0x89: {  	v62 =	vcombine.low v58, v60;
	[tilespmem:s27+$0xFFFFE7D0 ss:$0x81] =	vst.msk $0xffff, v2;
	(pc) =	sbr.rel @p1 .LBB1_5-.Ltmp5, $4  }
0x8a: {  	v61 =	vcombine.high v55, v57;
	[tilespmem:s27+$0xFFFFEFDF ss:$0x81] =	vst.msk $0xffff, v59  }
0x8b: {  	v63 =	vcombine.high v58, v60;
	[tilespmem:s27+$0xFFFFF7EF ss:$0x81] =	vst.msk $0xffff, v62  }
0x8c: {  	[tilespmem:s27+$0xFFFFEFE0 ss:$0x81] =	vst.msk $0xffff, v61  }
0x8d: {  	s22 =	sadd.s32 $0x4080, s22;
	[tilespmem:s27+$0xFFFFF7F0 ss:$0x81] =	vst.msk $0xffff, v63  }
0x8e: {  	s21 =	sadd.s32 $0x1, s21  }
0x8f: {  	p1 =	sne.s32 s21, s16  }
.Ltmp6:
0x90: {  	_ = 	snop;
	(pc) =	sbr.rel @p1 .LBB1_4-.Ltmp6, $4  }
.Ltmp7:
0x91: {  	_ = 	snop;
	(pc) =	sbr.rel @!p1 .LBB1_9-.Ltmp7, $4  }
0x92: {  	_ = 	snop  }
0x93: {  	_ = 	snop  }
0x94: {  	s19 =	sadd.s32 $0x4080, s19  }
0x95: {  	_ = 	snop  }
.LBB1_11:
0x96: {  	_ =	sfence.sel $0x180000  }
0x97: {  	s0 =	simm.s32 $0x1;
	[bflag:$0x0] =	sbarrier.arrive $0xFFFF  }
0x98: {  	s31 =	simm.s32 $0x2;
	[sflag:s0] =	ssyncpa.u1 $0x1  }
0x99: {  	[sflag:s31] =	ssyncpa.u1 $0x1  }
0x9a: {  	_ =	strace $0x90000047  }
0x9b: {  	[bflag:$0x2] =	sbarrier.arrive $0xFFFF  }
0x9c: {  	p0 =	sne.s32 s1, $0x0;
	s0 =	rddreg [dreg:$0x2]  }
0x9d: {  	s0 =	sadd.s32 @!p0 $0x100000, s0  }
0x9e: {  	[sflag:s0] =	ssyncadd.tile.s32 @!p0 $0x1;
	_ =	shalt  }
.Lfunc_end1:
_tile_overlayer_lowered:
.L_overlay_start_2:
0x9f: {  	(tag) =	ssettag $0x2  }
0xa0: {  	s0 =	rddreg [dreg:$0x0];
	s2 =	stileid.u32  }
0xa1: {  	s1 =	rddreg [dreg:$0x1];
	p0 =	sne.s32 s2, $0x0  }
0xa2: {  	s3 =	rddreg [dreg:$0x2];
	[bflag:$0x3] =	sbarrier.arrive $0xFFFF;
	s2 =	simm.s32 @!p0 $0x1C01  }
0xa3: {  	[timem:s3], [sflag:s2] =	dma.local @!p0 [hbm:s0], s1  }
0xa4: {  	s0 =	simm.s32 @!p0 $0x1  }
0xa5: {  	_ =	swait.ge @!p0 [sflag:s0], s1  }
0xa6: {  	s1 =	ssub.s32 @!p0 $0x0, s1;
	[sflag:s0] =	ssyncset.done @!p0 $0x0  }
0xa7: {  	[sflag:s0] =	ssyncadd.s32 @!p0 s1  }
0xa8: {  	[bflag:$0x3] =	sbarrier.arrive $0xFFFF  }
0xa9: {  	_ =	shalt  }

// kernel: sparse-core-data-format-call.cloned.1.call-start
scs
called_computation_lowered:
.L_overlay_start_0:
0x0: {  	s2 =	sld [smem:$0x3FD9]  }
0x1: {  	s3 =	sld [smem:$0x3FFE];
	_ =	sdelay $0x1  }
0x2: {  	s1 =	srdreg.scid  }
0x3: {  	s0 =	sand.u32 $0x1, s1  }
0x4: {  	s18 =	sshll.u32 s0, $0xA;
	s2 =	sadd.s32 s3, s2  }
0x5: {  	s2 =	sadd.s32 s2, s18  }
0x6: {  	[smem:$0x3FC6] =	sst s2  }
0x7: {  	_ = 	snop  }
0x8: {  	s2 =	sld [smem:$0x3FD0];
	(tm) =	ssettm $0x1  }
0x9: {  	s19 =	sld [smem:$0x3FFB];
	_ =	sdelay $0x3  }
0xa: {  	_ =	strace s19  }
0xb: {  	s3 =	sld [smem:$0x3FFC];
	_ =	sdelay $0x3  }
0xc: {  	_ =	strace s3  }
0xd: {  	s3 =	sld [smem:$0x3FFD];
	_ =	sdelay $0x3  }
0xe: {  	_ =	strace s3  }
0xf: {  	_ =	strace $0x8FFFFFFF  }
0x10: {  	s20 =	sld [smem:$0x3FDB];
	_ =	sdelay $0x1  }
0x11: {  	s4 =	simm.s32 $_scs_section_size  }
0x12: {  	s5 =	simm.s32 $_size__tile_overlayer_lowered;
	s6 =	simm.s32 $_tile_overlayer_lowered  }
0x13: {  	s23 =	simm.s32 $0x1BFF;
	s22 =	sshll.u32 s6, $0x1;
	s3 =	sadd.s32 s4, s20  }
0x14: {  	s7 =	simm.s32 $0x0;
	s21 =	sshll.u32 s5, $0x1;
	s5 =	sadd.s32 s22, s3  }
0x15: {  	[timem:s7], [sflag:s23] =	dma.local [hbm:s5], s21  }
0x16: {  	_ =	swait.ge [sflag:s23], s21  }
0x17: {  	s4 =	ssub.s32 $0x0, s21;
	[sflag:s23] =	ssyncset.done $0x0  }
0x18: {  	[sflag:s23] =	ssyncadd.s32 s4;
	_ =	sdelay $0x1  }
0x19: {  	s24 =	simm.s32 $0x1B8B  }
0x1a: {  	_ =	swait.ge [sflag:s24], $0x1  }
0x1b: {  	[sflag:s24] =	ssyncset.done $0x0  }
0x1c: {  	s26 =	simm.s32 $0x1B8E;
	s25 =	sld [smem:$0x3FFE];
	[sflag:s24] =	ssyncadd.s32 $0xFFFFFFFF  }
0x1d: {  	s27 =	simm.s32 $execute0_lowered;
	[smem:$0x3FD2] =	sst s26  }
0x1e: {  	s5 =	sshll.u32 s27, $0x1;
	_ =	strace $0x8000004F;
	[dreg:$0x1] =	wrdreg $0xFFFFFFFF  }
0x1f: {  	s28 =	simm.s32 $_size_execute0_lowered;
	s3 =	sadd.s32 s3, s5;
	[dreg:$0x0] =	wrdreg $0x0  }
0x20: {  	s5 =	sshll.u32 s28, $0x1;
	[dreg:$0x2] =	wrdreg s3  }
0x21: {  	[dreg:$0x3] =	wrdreg s5  }
0x22: {  	[dreg:$0x4] =	wrdreg $0xC0  }
0x23: {  	_ =	task [dreg:s7], $0x5FFFF  }
0x24: {  	[dreg:$0x1] =	wrdreg $0xFFFFFFFF  }
0x25: {  	[dreg:$0x0] =	wrdreg $0x60  }
0x26: {  	[dreg:$0x2] =	wrdreg s25  }
0x27: {  	[dreg:$0x3] =	wrdreg s2  }
0x28: {  	[dreg:$0x4] =	wrdreg $0x9  }
0x29: {  	_ =	task.clear_ibuf [dreg:s7], $0x5FFFF;
	_ =	strace $0x9000004F  }
0x2a: {  	s29 =	simm.s32 $0x9;
	_ =	strace $0x80000051  }
0x2b: {  	_ =	swait.ge [sflag:s29], $0x1  }
0x2c: {  	[sflag:s29] =	ssyncadd.s32 $0xFFFFFFFF  }
0x2d: {  	_ =	strace $0x90000051  }
0x2e: {  	_ =	sfence  }
0x2f: {  	s30 =	sld [smem:$0x0];
	_ =	sdelay $0x2  }
0x30: {  	s31 =	sshll.u32 s1, $0xD;
	s1 =	sshrl.u32 s1, $0x2  }
0x31: {  	s3 =	sand.u32 $0x4000, s31;
	s1 =	sadd.s32 s1, s30  }
0x32: {  	s0 =	sor.u32 s3, s0;
	s1 =	sshll.u32 s1, $0x11  }
0x33: {  	s0 =	sor.u32 s1, s0  }
0x34: {  	s0 =	sadd.s32 $0x8F2B, s0  }
0x35: {  	[sflag:s0] =	ssyncadd.remote.s32 $0x1  }
0x36: {  	_ =	sfence.sel $0xFFFF  }
0x37: {  	[dreg:$0x0] =	wrdreg $0xFFFFFFFF;
	(pc) =	sbr.abs _section_cstart, $3  }
0x38: {  	[dreg:$0x1] =	wrdreg $0xFFFFFFFF  }
0x39: {  	_ =	task.clear_ibuf [dreg:s7], $0x2FFFF;
	_ =	strace $0x9FFFFFFF  }
0x3a: {  	(tm) =	ssettm $0x7FFFFFFF  }
0x3b: {  	_ =	shalt  }
tec
execute0_lowered:
.L_overlay_start_1:
0x0: {  	(tag) =	ssettag $0x1  }
0x1: {  	s0 =	rddreg [dreg:$0x0]  }
0x2: {  	s1 =	srdreg.scid;
	_ =	strace $0x80000050;
	s2 =	stileid.u32  }
0x3: {  	s30 =	simm.s32 $0x1;
	s31 =	simm.s32 $0x2;
	s15 =	simm.s32 $0x0  }
0x4: {  	s16 =	simm.s32 $0x0;
	s17 =	simm.s32 $0x0;
	s8 =	simm.s32 $0x0  }
0x5: {  	s10 =	simm.s32 $0x0;
	s12 =	simm.s32 $0x0;
	s11 =	simm.s32 $0x0  }
.Ltmp0:
0x6: {  	s9 =	simm.s32 $0x0;
	s29 =	sshll.u32 s1, $0x4;
	(pc) =	sbr.rel .LBB1_1-.Ltmp0, $4  }
0x7: {  	s6 =	sadd.s32 $0x1600, s0;
	[sflag:s30] =	ssyncpa.u1 $0x0;
	s0 =	sand.u32 $0x10, s29  }
0x8: {  	s7 =	sand.u32 $0x7, s2;
	[dreg:$0x3] =	wrdreg s6;
	s0 =	sor.u32 s2, s0  }
0x9: {  	[sflag:s31] =	ssyncpa.u1 $0x0;
	[dreg:$0x4] =	wrdreg s7;
	s22 =	sshrl.u32 s0, $0x3  }
0xa: {  	s14 =	smov.u32 s7;
	s13 =	smov.u32 s22;
	[dreg:$0x5] =	wrdreg s22  }
.LBB1_9:
0xb: {  	p0 =	sgt.s32 s8, $0x80;
	s3 =	smul.u32 $0xA8000, s12  }
0xc: {  	s0 =	smov.u32 s8;
	s1 =	sshrl.u32 s8, $0x5;
	s27 =	smul.u32 $0xC00, s10  }
0xd: {  	s4 =	sshrl.u32 s8, $0x3;
	s5 =	rddreg [dreg:$0x1];
	s0 =	simm.s32 @!p0 $0x80  }
0xe: {  	s28 =	sand.u32 $0x7, s8;
	s1 =	sand.u32 $0xFFFFFC, s1;
	s0 =	sadd.s32 s19, s0  }
0xf: {  	s29 =	rddreg [dreg:$0x6];
	s26 =	smulhi.u32 $0x2AAAAAB, s1;
	s2 =	sadd.s32 $0xFFFFFF80, s0  }
0x10: {  	s6 =	rddreg [dreg:$0x3];
	s0 =	ssub.s32 $0x100, s0;
	p0 =	sgt.s32 s2, $0x7F  }
0x11: {  	s7 =	rddreg [dreg:$0x4];
	s2 =	smul.u32 $0x60, s26;
	s0 =	simm.s32 @p0 $0x0  }
0x12: {  	s31 =	simm.s32 $0x800;
	s22 =	rddreg [dreg:$0x5];
	s0 =	smul.u32 s0, s18  }
0x13: {  	s4 =	sand.u32 $0xF, s4;
	s3 =	sadd.s32 s5, s3;
	s1 =	ssub.s32 s1, s2  }
0x14: {  	s2 =	sadd.s32 s27, s3;
	s3 =	sshll.u32 s28, $0x12;
	s0 =	smul.u32 $0x60, s0  }
0x15: {  	s1 =	sshll.u32 s1, $0x5;
	s2 =	sadd.s32 s4, s2;
	s4 =	sor.u32 $0x8000, s29  }
0x16: {  	s30 =	sor.u32 $0x400, s3;
	s1 =	sadd.s32 s1, s2;
	s0 =	sand.u32 $0x3FFFFFE0, s0  }
0x17: {  	[hbm4b:s1+s30] =	stream.strided.scatter [tilespmem:s4], [sflag:$0x2], s0, s31, s30, $0x20;
	[tilespmem:$0x10100] =	vst v63  }
.LBB1_10:
0x18: {  	p0 =	slt.u32 s9, $0x2  }
0x19: {  	p1 =	sgt.s32 @!p0 s17, $0x7  }
0x1a: {  	s0 =	smov.u32 s17;
	s1 =	sshra.s32 @!p0 s17, $0x1F;
	p1 =	por !p1, p0  }
0x1b: {  	s2 =	smov.u32 s16;
	s1 =	sand.u32 @!p0 s1, s17;
	s0 =	simm.s32 @p1 $0x7  }
0x1c: {  	s3 =	sshra.s32 @!p0 s16, $0x1F;
	p1 =	sgt.s32 @!p0 s16, $0xDF;
	s0 =	ssub.s32 @!p0 s0, s1  }
0x1d: {  	s4 =	sshra.s32 @!p0 s15, $0x1F;
	p2 =	por !p1, p0;
	s1 =	sadd.s32 @!p0 $0xFFFFFFF9, s0  }
0x1e: {  	s2 =	simm.s32 @p2 $0xDF;
	p1 =	sgt.s32 @!p0 s1, $0x0;
	s1 =	sand.u32 @!p0 s3, s16  }
0x1f: {  	s0 =	ssub.s32 @!p0 $0x8, s0;
	p2 =	sgt.s32 @!p0 s15, $0x80;
	s1 =	ssub.s32 @!p0 s2, s1  }
0x20: {  	p2 =	por !p2, p0;
	s3 =	smov.u32 s15;
	s2 =	sadd.s32 @!p0 $0xFFFFFF21, s1  }
0x21: {  	s3 =	simm.s32 @p2 $0x80;
	p2 =	sgt.s32 @!p0 s2, $0x0;
	s2 =	sand.u32 @!p0 s4, s15  }
0x22: {  	s0 =	smul.u32 @!p0 $0x60, s0;
	p1 =	por !p1, p0;
	s2 =	ssub.s32 @!p0 s3, s2  }
0x23: {  	s1 =	ssub.s32 @!p0 $0xE0, s1;
	p2 =	por !p2, p0;
	s3 =	sadd.s32 @!p0 $0xFFFFFF80, s2  }
0x24: {  	s0 =	simm.s32 @!p1 $0x0;
	s1 =	simm.s32 @!p2 $0x0;
	p2 =	sgt.s32 @!p0 s3, $0x7F  }
0x25: {  	s2 =	ssub.s32 @!p0 $0x100, s2;
	s0 =	smul.u32 @!p0 s1, s0;
	p1 =	por !p2, p0  }
0x26: {  	s1 =	sadd.s32 $0x80, s11;
	s3 =	smov.u32 s13;
	s2 =	simm.s32 @!p1 $0x0  }
0x27: {  	p1 =	sgt.s32 s1, $0xDF;
	s0 =	smul.u32 @!p0 s2, s0;
	s2 =	sadd.s32 $0x4, s13  }
0x28: {  	s3 =	smov.u32 @p1 s2  }
0x29: {  	s5 =	smov.u32 s14;
	s2 =	sadd.s32 $0x8, s14;
	p2 =	sgt.s32 s3, $0xDF  }
0x2a: {  	s9 =	sadd.s32 $0x1, s9;
	s5 =	smov.u32 @p2 s2  }
0x2b: {  	s17 =	smov.u32 s12;
	s1 =	simm.s32 @p1 $0x0;
	p1 =	sgt.s32 s5, $0x7  }
0x2c: {  	s12 =	smov.u32 s14;
	s5 =	smov.u32 @p1 s7;
	p1 =	sne.s32 s9, $0x72  }
.Ltmp1:
0x2d: {  	s16 =	smov.u32 s10;
	s10 =	smov.u32 s13;
	(pc) =	sbr.rel @!p1 .LBB1_11-.Ltmp1, $4  }
0x2e: {  	s4 =	simm.s32 @!p0 $0x2;
	s15 =	smov.u32 s8;
	s0 =	sand.u32 @!p0 $0x3FFFFFE0, s0  }
0x2f: {  	s8 =	smov.u32 s11;
	s11 =	smov.u32 s1;
	_ =	swait.ge @!p0 [sflag:s4], s0  }
0x30: {  	s0 =	ssub.s32 @!p0 $0x0, s0;
	s3 =	smov.u32 @p2 s22;
	[sflag:s4] =	ssyncset.done @!p0 $0x0  }
0x31: {  	s13 =	smov.u32 s3;
	[sflag:s4] =	ssyncadd.s32 @!p0 s0;
	s14 =	smov.u32 s5  }
.LBB1_1:
0x32: {  	p0 =	sgt.u32 s9, $0x6F;
	s18 =	smov.u32 s14  }
0x33: {  	s0 =	sand.u32 @!p0 $0x1FFFFFF, s11;
	p1 =	sgt.s32 @!p0 s14, $0x7;
	s19 =	sshra.s32 @!p0 s14, $0x1F  }
0x34: {  	s20 =	sshra.s32 @!p0 s13, $0x1F;
	s1 =	smulhi.u32 @!p0 $0x2492493, s0;
	p1 =	por !p1, p0  }
0x35: {  	s19 =	sand.u32 @!p0 s19, s14;
	s20 =	sand.u32 @!p0 s20, s13;
	s18 =	simm.s32 @p1 $0x7  }
0x36: {  	p1 =	sgt.s32 @!p0 s13, $0xDF;
	s1 =	sshrl.u32 @!p0 s1, $0x1;
	s18 =	ssub.s32 @!p0 s18, s19  }
0x37: {  	p1 =	por !p1, p0;
	s19 =	smov.u32 s13;
	s1 =	smul.u32 @!p0 $0xE0, s1  }
0x38: {  	s19 =	simm.s32 @p1 $0xDF;
	p1 =	sgt.s32 @!p0 s11, $0x60;
	s18 =	sadd.s32 @!p0 $0xFFFFFFF9, s18  }
0x39: {  	s19 =	ssub.s32 @!p0 s19, s20;
	p1 =	por !p1, p0;
	s20 =	smov.u32 s11  }
0x3a: {  	p2 =	sgt.s32 @!p0 s18, $0x0;
	s18 =	sshll.u32 @!p0 s18, $0x7;
	s21 =	sadd.s32 @!p0 $0xFFFFFF21, s19  }
0x3b: {  	s20 =	simm.s32 @p1 $0x60;
	p1 =	sgt.s32 @!p0 s21, $0x0;
	s21 =	sshra.s32 @!p0 s11, $0x1F  }
0x3c: {  	s19 =	ssub.s32 @!p0 $0xE0, s19;
	s18 =	ssub.s32 @!p0 $0x80, s18;
	s21 =	sand.u32 @!p0 s21, s11  }
0x3d: {  	p2 =	por !p2, p0;
	p1 =	por !p1, p0;
	s20 =	ssub.s32 @!p0 s20, s21  }
0x3e: {  	s18 =	simm.s32 @!p2 $0x0;
	s19 =	simm.s32 @!p1 $0x0;
	s21 =	sadd.s32 @!p0 $0xFFFFFFA0, s20  }
0x3f: {  	s0 =	ssub.s32 @!p0 s0, s1;
	s18 =	smul.u32 @!p0 s19, s18;
	p1 =	sgt.s32 @!p0 s21, $0x7F  }
0x40: {  	s19 =	ssub.s32 @!p0 $0xE0, s20;
	s20 =	smul.u32 @!p0 $0xC4000, s14;
	p1 =	por !p1, p0  }
0x41: {  	s1 =	smul.u32 @!p0 $0xE00, s13;
	s21 =	sxor.u32 @!p0 $0xFFFFFFFF, s9;
	s19 =	simm.s32 @!p1 $0x0  }
0x42: {  	s21 =	sshll.u32 @!p0 s21, $0xE;
	s18 =	smul.u32 @!p0 s19, s18;
	s19 =	sadd.s32 @!p0 s6, s20  }
0x43: {  	s0 =	sshll.u32 @!p0 s0, $0x4;
	s20 =	sand.u32 @!p0 $0x4000, s21;
	s1 =	sadd.s32 @!p0 s1, s19  }
0x44: {  	s18 =	sand.u32 @!p0 $0x3FFFFF80, s18;
	s0 =	sadd.s32 @!p0 s0, s1;
	s1 =	simm.s32 @!p0 $0x0  }
0x45: {  	[tilespmem:s20], [sflag:$0x1] =	stream.linear.gather @!p0 [hbm4b:s0+s1], s18, $0x38;
	[tilespmem:$0x10100] =	vst v63  }
0x46: {  	p0 =	seq.s32 s9, $0x0  }
0x47: {  	p1 =	seq.s32 @!p0 s9, $0x71  }
0x48: {  	p0 =	por p0, p1  }
.Ltmp2:
0x49: {  	_ = 	snop;
	(pc) =	sbr.rel @p0 .LBB1_10-.Ltmp2, $1  }
0x4a: {  	_ =	sdelay $0x3  }
0x4b: {  	p0 =	sgt.s32 s12, $0x7;
	s0 =	smov.u32 s12;
	s1 =	sshra.s32 s12, $0x1F  }
0x4c: {  	s18 =	sshra.s32 s10, $0x1F;
	s26 =	ssub.s32 $0x0, s8;
	s27 =	sshra.s32 s8, $0x1F  }
0x4d: {  	p1 =	sgt.s32 s8, $0x60;
	s20 =	smov.u32 s8;
	s0 =	simm.s32 @!p0 $0x7  }
0x4e: {  	s1 =	sand.u32 s1, s12;
	p0 =	sgt.s32 s10, $0xDF;
	s18 =	sand.u32 s18, s10  }
0x4f: {  	s20 =	simm.s32 @!p1 $0x60;
	s0 =	ssub.s32 s0, s1;
	s1 =	smov.u32 s10  }
0x50: {  	s19 =	sadd.s32 $0xFFFFFFF9, s0;
	s1 =	simm.s32 @!p0 $0xDF;
	s0 =	ssub.s32 $0x8, s0  }
0x51: {  	p0 =	sgt.s32 s19, $0x0;
	s1 =	ssub.s32 s1, s18;
	s19 =	sand.u32 s26, s27  }
0x52: {  	s21 =	sadd.s32 $0xFFFFFF21, s1;
	s1 =	ssub.s32 $0xE0, s1;
	s18 =	sadd.s32 s19, s20  }
0x53: {  	s0 =	simm.s32 @p0 $0x0;
	p1 =	sgt.s32 s21, $0x0;
	s20 =	sadd.s32 $0xFFFFFFA0, s18  }
0x54: {  	s1 =	simm.s32 @p1 $0x0;
	s28 =	sshll.u32 s20, $0x7;
	p0 =	sgt.s32 s20, $0x7F  }
0x55: {  	s18 =	smul.u32 s0, s1;
	s0 =	ssub.s32 $0x4000, s28;
	s1 =	sadd.s32 $0x1, s12  }
0x56: {  	s20 =	sadd.s32 $0x1, s10;
	s0 =	simm.s32 @p0 $0x0;
	p0 =	slt.s32 s1, $0x8  }
0x57: {  	s1 =	simm.s32 @!p0 $0x8;
	p0 =	slt.s32 s20, $0xE0  }
0x58: {  	s21 =	ssub.s32 s1, s12;
	s20 =	simm.s32 @!p0 $0xE0;
	s1 =	sadd.s32 $0x80, s8  }
0x59: {  	s22 =	ssub.s32 s20, s10;
	p1 =	slt.s32 s1, $0xE0;
	p0 =	slt.s32 s21, $0x1  }
0x5a: {  	s1 =	simm.s32 @!p1 $0xE0;
	p1 =	slt.s32 @!p0 s22, $0x1  }
0x5b: {  	s23 =	ssub.s32 s1, s8;
	p1 =	por p0, p1  }
0x5c: {  	p2 =	slt.s32 @!p1 s23, $0x1  }
0x5d: {  	s0 =	smul.u32 s18, s0;
	p1 =	por p1, p2  }
.Ltmp3:
0x5e: {  	_ = 	snop;
	(pc) =	sbr.rel @p1 .LBB1_9-.Ltmp3, $4  }
0x5f: {  	s2 =	simm.s32 $0x1;
	s29 =	sand.u32 $0x3FFFFF80, s0;
	s0 =	sand.u32 $0x1, s9  }
0x60: {  	_ =	swait.ge [sflag:s2], s29;
	s31 =	smul.u32 $0x4080, s0  }
0x61: {  	s30 =	ssub.s32 $0x0, s29;
	[sflag:s2] =	ssyncset.done $0x0  }
0x62: {  	[sflag:s2] =	ssyncadd.s32 s30;
	[dreg:$0x6] =	wrdreg s31  }
0x63: {  	s24 =	sshll.u32 @!p0 s0, $0xE;
	s0 =	rddreg [dreg:$0x6]  }
0x64: {  	s26 =	simm.s32 $0x0;
	s25 =	sor.u32 @!p0 $0x8000, s0  }
.LBB1_4:
0x65: {  	s27 =	simm.s32 $0x0  }
.LBB1_5:
0x66: {  	s0 =	sadd.s32 s26, s27  }
0x67: {  	s1 =	sshll.u32 s0, $0x10  }
0x68: {  	s1 =	sshra.s32 s1, $0x2  }
0x69: {  	s1 =	sadd.s32 s1, s24  }
0x6a: {  	s29 =	simm.s32 $0x0;
	s7 =	simm.s32 $0x0;
	s0 =	smul.u32 $0x10200, s0;
	v0 =	vmov s1  }
0x6b: {  	s31 =	simm.s32 $0x10;
	s4 =	simm.s32 $0x30;
	s3 =	simm.s32 $0x50  }
0x6c: {  	s31 =	sand.u32 $0x78, s31;
	s4 =	sand.u32 $0x78, s4;
	s0 =	sshra.s32 s0, $0x2  }
0x6d: {  	s31 =	smul.u32 $0x204, s31;
	s28 =	sadd.s32 s0, s25;
	s0 =	sand.u32 $0x78, s7  }
0x6e: {  	s4 =	smul.u32 $0x204, s4;
	s1 =	sand.u32 $0x3F80, s29;
	s2 =	sxor.u32 $0x40, s0  }
0x6f: {  	s30 =	simm.s32 $0x1;
	s3 =	sand.u32 $0x78, s3;
	s2 =	smul.u32 $0x204, s2;
	v1 =	vld.idx.msk [tilespmem:v0+s1+$0x40 ss:$0x1], $0xffff  }
0x70: {  	p0 =	sne.s32 s23, $0x1;
	s5 =	sand.u32 $0x7F, s29;
	s3 =	smul.u32 $0x204, s3  }
0x71: {  	s7 =	simm.s32 $0x20;
	s0 =	smul.u32 $0x204, s0;
	s2 =	sshrl.u32 s2, $0x2;
	v2 =	vld.idx.msk [tilespmem:v0+s1+$0x0 ss:$0x1], $0xffff  }
0x72: {  	s31 =	sshrl.u32 s31, $0x2;
	s7 =	sand.u32 $0x78, s7;
	v3 =	vld.idx.msk [tilespmem:v0+s1+$0x10 ss:$0x1], $0xffff;
	s2 =	sadd.s32 s2, s28  }
0x73: {  	s7 =	smul.u32 $0x204, s7;
	s0 =	sshrl.u32 s0, $0x2;
	v4 =	vld.idx.msk [tilespmem:v0+s1+$0x20 ss:$0x1], $0xffff;
	s2 =	sadd.s32 s5, s2  }
.Ltmp4:
0x74: {  	s4 =	sshrl.u32 s4, $0x2;
	s0 =	sadd.s32 s0, s28;
	[tilespmem:s2+$0x0 ss:$0x81] =	vst.msk $0xffff, v1;
	v1 =	vld.idx.msk [tilespmem:v0+s1+$0x30 ss:$0x1], $0xffff;
	(pc) =	sbr.rel @!p0 .LBB1_7-.Ltmp4, $4  }
0x75: {  	s20 =	sadd.s32 s31, s28;
	s7 =	sshrl.u32 s7, $0x2;
	s0 =	sadd.s32 s5, s0  }
0x76: {  	s3 =	sshrl.u32 s3, $0x2;
	s7 =	sadd.s32 s7, s28;
	[tilespmem:s0+$0x0 ss:$0x81] =	vst.msk $0xffff, v2;
	s2 =	sadd.s32 s5, s20;
	v2 =	vld.idx.msk [tilespmem:v0+s1+$0x50 ss:$0x1], $0xffff  }
0x77: {  	s6 =	sadd.s32 s4, s28;
	s20 =	sadd.s32 s5, s7;
	[tilespmem:s2+$0x0 ss:$0x81] =	vst.msk $0xffff, v3;
	s2 =	sadd.s32 s3, s28  }
0x78: {  	s31 =	simm.s32 $0x2808;
	s1 =	sadd.s32 s5, s6;
	[tilespmem:s20+$0x0 ss:$0x81] =	vst.msk $0xffff, v4;
	s0 =	sadd.s32 s5, s2  }
.LBB1_6:
0x79: {  	s2 =	sadd.s32 $0xFFFFD800, s31;
	s3 =	sadd.s32 $0xFFFFE000, s31;
	[tilespmem:s1+$0x0 ss:$0x81] =	vst.msk $0xffff, v1;
	s1 =	smov.u32 s30  }
0x7a: {  	s30 =	sadd.s32 $0x1, s30;
	s29 =	sadd.s32 $0x80, s29;
	s4 =	sadd.s32 $0xFFFFE800, s31  }
0x7b: {  	s5 =	sadd.s32 $0xFFFFF000, s31;
	s2 =	sshrl.u32 s2, $0x7;
	p0 =	sne.s32 s23, s30;
	[tilespmem:s0+$0x0 ss:$0x81] =	vst.msk $0xffff, v2  }
0x7c: {  	s6 =	sshrl.u32 s31, $0x7;
	s0 =	sand.u32 $0x3F80, s29;
	s2 =	sand.u32 $0x78, s2  }
0x7d: {  	s3 =	sshrl.u32 s3, $0x7;
	s4 =	sshrl.u32 s4, $0x7;
	v3 =	vld.idx.msk [tilespmem:v0+s0+$0x40 ss:$0x1], $0xffff;
	s7 =	sxor.u32 $0x40, s2  }
0x7e: {  	s5 =	sshrl.u32 s5, $0x7;
	s6 =	sand.u32 $0x78, s6;
	v4 =	vld.idx.msk [tilespmem:v0+s0+$0x0 ss:$0x1], $0xffff;
	s7 =	smul.u32 $0x204, s7  }
0x7f: {  	s20 =	sand.u32 $0x7F, s1;
	s3 =	sand.u32 $0x78, s3;
	s4 =	sand.u32 $0x78, s4;
	v5 =	vld.idx.msk [tilespmem:v0+s0+$0x10 ss:$0x1], $0xffff  }
0x80: {  	s5 =	sand.u32 $0x78, s5;
	s1 =	smul.u32 $0x204, s2;
	v6 =	vld.idx.msk [tilespmem:v0+s0+$0x20 ss:$0x1], $0xffff;
	s7 =	sshrl.u32 s7, $0x2  }
0x81: {  	s3 =	smul.u32 $0x204, s3;
	v1 =	vld.idx.msk [tilespmem:v0+s0+$0x30 ss:$0x1], $0xffff;
	s2 =	sadd.s32 s7, s28  }
0x82: {  	s2 =	sadd.s32 s20, s2;
	v2 =	vld.idx.msk [tilespmem:v0+s0+$0x50 ss:$0x1], $0xffff;
	s0 =	sshrl.u32 s1, $0x2;
	s1 =	smul.u32 $0x204, s4  }
0x83: {  	s4 =	smul.u32 $0x204, s6;
	[tilespmem:s2+$0x0 ss:$0x81] =	vst.msk $0xffff, v3  }
0x84: {  	s0 =	sadd.s32 s0, s28;
	s2 =	sshrl.u32 s3, $0x2;
	s3 =	smul.u32 $0x204, s5  }
.Ltmp5:
0x85: {  	s2 =	sadd.s32 s2, s28;
	s1 =	sshrl.u32 s1, $0x2;
	(pc) =	sbr.rel @p0 .LBB1_6-.Ltmp5, $4  }
0x86: {  	s0 =	sadd.s32 s20, s0;
	s1 =	sadd.s32 s1, s28;
	s3 =	sshrl.u32 s3, $0x2  }
0x87: {  	[tilespmem:s0+$0x0 ss:$0x81] =	vst.msk $0xffff, v4;
	s0 =	sadd.s32 s20, s2;
	s2 =	sadd.s32 s3, s28;
	s3 =	sshrl.u32 s4, $0x2  }
0x88: {  	[tilespmem:s0+$0x0 ss:$0x81] =	vst.msk $0xffff, v5;
	s0 =	sadd.s32 s20, s1;
	s1 =	sadd.s32 s20, s2;
	s2 =	sadd.s32 s3, s28  }
0x89: {  	s31 =	sadd.s32 $0x8, s31;
	[tilespmem:s0+$0x0 ss:$0x81] =	vst.msk $0xffff, v6;
	s0 =	sadd.s32 s20, s2  }
.LBB1_7:
0x8a: {  	s27 =	sadd.s32 $0x1, s27  }
0x8b: {  	p0 =	sne.s32 s27, s22  }
.Ltmp6:
0x8c: {  	_ = 	snop;
	(pc) =	sbr.rel @p0 .LBB1_5-.Ltmp6, $3  }
0x8d: {  	_ =	sdelay $0x1  }
0x8e: {  	[tilespmem:s1+$0x0 ss:$0x81] =	vst.msk $0xffff, v1  }
0x8f: {  	[tilespmem:s0+$0x0 ss:$0x81] =	vst.msk $0xffff, v2  }
0x90: {  	s26 =	sadd.s32 $0x1, s26  }
0x91: {  	p0 =	sne.s32 s26, s21  }
.Ltmp7:
0x92: {  	_ = 	snop;
	(pc) =	sbr.rel @p0 .LBB1_4-.Ltmp7, $4  }
.Ltmp8:
0x93: {  	_ = 	snop;
	(pc) =	sbr.rel @!p0 .LBB1_9-.Ltmp8, $4  }
0x94: {  	_ = 	snop  }
0x95: {  	_ = 	snop  }
0x96: {  	_ = 	snop  }
0x97: {  	_ = 	snop  }
.LBB1_11:
0x98: {  	_ =	sfence.sel $0x180000  }
0x99: {  	s0 =	simm.s32 $0x1;
	[bflag:$0x0] =	sbarrier.arrive $0xFFFF  }
0x9a: {  	s30 =	simm.s32 $0x2;
	[sflag:s0] =	ssyncpa.u1 $0x1  }
0x9b: {  	[sflag:s30] =	ssyncpa.u1 $0x1  }
0x9c: {  	_ =	strace $0x90000050  }
0x9d: {  	s31 =	stileid.u32;
	[bflag:$0x2] =	sbarrier.arrive $0xFFFF  }
0x9e: {  	p0 =	sne.s32 s31, $0x0;
	s0 =	rddreg [dreg:$0x2]  }
0x9f: {  	s0 =	sadd.s32 @!p0 $0x100000, s0  }
0xa0: {  	[sflag:s0] =	ssyncadd.tile.s32 @!p0 $0x1;
	_ =	shalt  }
.Lfunc_end1:
_tile_overlayer_lowered:
.L_overlay_start_2:
0xa1: {  	(tag) =	ssettag $0x2  }
0xa2: {  	s0 =	rddreg [dreg:$0x0];
	s2 =	stileid.u32  }
0xa3: {  	s1 =	rddreg [dreg:$0x1];
	p0 =	sne.s32 s2, $0x0  }
0xa4: {  	s3 =	rddreg [dreg:$0x2];
	[bflag:$0x3] =	sbarrier.arrive $0xFFFF;
	s2 =	simm.s32 @!p0 $0x1C01  }
0xa5: {  	[timem:s3], [sflag:s2] =	dma.local @!p0 [hbm:s0], s1  }
0xa6: {  	s0 =	simm.s32 @!p0 $0x1  }
0xa7: {  	_ =	swait.ge @!p0 [sflag:s0], s1  }
0xa8: {  	s1 =	ssub.s32 @!p0 $0x0, s1;
	[sflag:s0] =	ssyncset.done @!p0 $0x0  }
0xa9: {  	[sflag:s0] =	ssyncadd.s32 @!p0 s1  }
0xaa: {  	[bflag:$0x3] =	sbarrier.arrive $0xFFFF  }
0xab: {  	_ =	shalt  }

</sc_bundles>
